<compile_context>
chip_gen: v7x
topology: tpu7x:2x2x1
jax: 0.10.2.dev20260603
libtpu: 0.0.44.dev20260713+nightly
codegen_flags: <defaults>
</compile_context>

<pallas_src>
import jax
import jax.numpy as jnp
from jax import lax
from jax.experimental import pallas as pl
from jax.experimental.pallas import tpu as pltpu
from jax.experimental.pallas import tpu_sc as plsc

N_NODES = 1000000
MEM = 64
INP = 64
MSG = 100
B = 16384

C = 4096
NB = -(-N_NODES // C)
E = 128
NT = B // E

NC = 2
NS = 16
NW = NC * NS
BPW = B // NW


def _sc_gather_body(lu_hbm, idx_hbm, lu_out, idx_v, lu_v, sem_i, sem_l):
    wid = lax.axis_index("s") * NC + lax.axis_index("c")
    base = wid * BPW
    pltpu.async_copy(idx_hbm.at[pl.ds(base, BPW)], idx_v, sem_i).wait()
    pltpu.async_copy(lu_hbm.at[idx_v], lu_v, sem_l).wait()
    pltpu.sync_copy(lu_v, lu_out.at[pl.ds(base, BPW)])


def _sc_gather(last_update2d, source_nodes):
    mesh = plsc.VectorSubcoreMesh(core_axis_name="c", subcore_axis_name="s")
    return pl.kernel(
        _sc_gather_body,
        out_type=jax.ShapeDtypeStruct((B, 1), jnp.float32),
        mesh=mesh,
        scratch_types=(
            pltpu.VMEM((BPW,), jnp.int32),
            pltpu.VMEM((BPW, 1), jnp.float32),
            pltpu.SemaphoreType.DMA,
            pltpu.SemaphoreType.DMA,
        ),
        compiler_params=pltpu.CompilerParams(use_tc_tiling_on_sc=False),
    )(last_update2d, source_nodes)


def _mega_body(off_ref, mem_ref, colid_ref, colcol_ref, ef_ref, dlt_ref,
               w1a_ref, w1b_ref, w1c_ref, b1_ref, w2_ref, b2_ref,
               wir_ref, wiz_ref, win_ref, whr_ref, whz_ref, whn_ref,
               brz_r_ref, brz_z_ref, bin_ref, bhn_ref,
               out_ref):
    g = pl.program_id(0)
    base = g * C
    f32 = jnp.float32
    out_ref[...] = mem_ref[...]
    col_ok = (base + lax.broadcasted_iota(jnp.int32, (1, C), 1)) < N_NODES
    x_clean = jnp.where(jnp.broadcast_to(col_ok, (MEM, C)), mem_ref[...], 0.0)
    t0 = off_ref[g] // E
    t1 = (off_ref[g + 1] + (E - 1)) // E

    def chunk(t, carry):
        s0 = pl.multiple_of(t * E, E)
        colrel = colid_ref[pl.ds(t, 1), :] - base
        colrel_c = colcol_ref[pl.ds(s0, E), :] - base
        s1 = (lax.broadcasted_iota(jnp.int32, (C, E), 0) == colrel).astype(f32)
        h = jnp.dot(x_clean, s1, preferred_element_type=f32)
        ef = ef_ref[pl.ds(t, 1)][0]
        dl = dlt_ref[pl.ds(t, 1), :]
        x1 = (jnp.dot(w1a_ref[...], h, preferred_element_type=f32)
              + jnp.dot(w1b_ref[...], ef, preferred_element_type=f32)
              + w1c_ref[...] * dl + b1_ref[...])
        h1 = jnp.maximum(x1, 0.0)
        msg = jnp.dot(w2_ref[...], h1, preferred_element_type=f32) + b2_ref[...]
        r = jax.nn.sigmoid(jnp.dot(wir_ref[...], msg, preferred_element_type=f32)
                           + jnp.dot(whr_ref[...], h, preferred_element_type=f32)
                           + brz_r_ref[...])
        z = jax.nn.sigmoid(jnp.dot(wiz_ref[...], msg, preferred_element_type=f32)
                           + jnp.dot(whz_ref[...], h, preferred_element_type=f32)
                           + brz_z_ref[...])
        hn = jnp.dot(whn_ref[...], h, preferred_element_type=f32) + bhn_ref[...]
        nn = jnp.tanh(jnp.dot(win_ref[...], msg, preferred_element_type=f32)
                      + bin_ref[...] + r * hn)
        upd = (1.0 - z) * nn + z * h
        iota_ec = lax.broadcasted_iota(jnp.int32, (E, C), 1)
        m_le = (colrel_c <= iota_ec).astype(f32)
        ones_row = jnp.ones((1, E), f32)
        cnt = jnp.dot(ones_row, m_le, preferred_element_type=f32)
        slot = cnt.astype(jnp.int32) - 1
        nneg = jnp.dot(ones_row, (colrel_c < 0).astype(f32),
                       preferred_element_type=f32)
        cnt_prev = jnp.concatenate(
            [jnp.broadcast_to(nneg, (1, 1)), cnt[:, :C - 1]], axis=1)
        hit = cnt > cnt_prev
        sel = (lax.broadcasted_iota(jnp.int32, (E, C), 0) == slot).astype(f32)
        vals = jnp.dot(upd, sel, preferred_element_type=f32)
        out_ref[...] = jnp.where(jnp.broadcast_to(hit, (MEM, C)),
                                 vals, out_ref[...])
        return carry

    lax.fori_loop(t0, t1, chunk, 0)


def _tc_mega(mem_t, colid2, colcol, ef3, dlt2, offsets, ws):
    blk = lambda g: (0, g)
    rep = lambda g: (0, 0)
    rep3 = lambda g: (0, 0, 0)
    return pl.pallas_call(
        _mega_body,
        grid=(NB,),
        in_specs=[
            pl.BlockSpec(memory_space=pltpu.SMEM),
            pl.BlockSpec((MEM, C), blk),
            pl.BlockSpec((NT, E), rep),
            pl.BlockSpec((B, 1), rep),
            pl.BlockSpec((NT, MEM, E), rep3),
            pl.BlockSpec((NT, E), rep),
        ] + [pl.BlockSpec(w.shape, rep) for w in ws],
        out_specs=pl.BlockSpec((MEM, C), blk),
        out_shape=jax.ShapeDtypeStruct((MEM, N_NODES), jnp.float32),
    )(offsets, mem_t, colid2, colcol, ef3, dlt2, *ws)


def kernel(source_nodes, edge_times, edge_features, memory, last_update,
           W1, b1, W2, b2, W_ih, W_hh, b_ih, b_hh):
    mem_t = memory.T
    ef_t = edge_features.T
    lu2 = last_update.reshape(N_NODES, 1)

    iota = lax.iota(jnp.int32, B)
    keys_s, perm = lax.sort([source_nodes, iota], num_keys=1, is_stable=True)
    bounds = lax.iota(jnp.int32, NB + 1) * C
    offsets = jnp.searchsorted(keys_s, bounds, side="left",
                               method="compare_all").astype(jnp.int32)

    lu_orig = _sc_gather(lu2, source_nodes)
    delta_orig = edge_times - lu_orig.reshape(B)
    delta_row = jnp.take(delta_orig, perm).reshape(1, B)

    ef_s_t = jnp.take(ef_t, perm, axis=1)
    ef3 = ef_s_t.reshape(MEM, NT, E).transpose(1, 0, 2)
    colid2 = keys_s.reshape(NT, E)
    colcol = keys_s.reshape(B, 1)
    dlt2 = delta_row.reshape(NT, E)

    w1a = W1[:, :MEM]
    w1b = W1[:, MEM:MEM + INP]
    w1c = W1[:, MEM + INP][:, None]
    b1c = b1[:, None]
    b2c = b2[:, None]
    wir = W_ih[0:MEM]
    wiz = W_ih[MEM:2 * MEM]
    win = W_ih[2 * MEM:3 * MEM]
    whr = W_hh[0:MEM]
    whz = W_hh[MEM:2 * MEM]
    whn = W_hh[2 * MEM:3 * MEM]
    brz_r = (b_ih[0:MEM] + b_hh[0:MEM])[:, None]
    brz_z = (b_ih[MEM:2 * MEM] + b_hh[MEM:2 * MEM])[:, None]
    binc = b_ih[2 * MEM:3 * MEM][:, None]
    bhnc = b_hh[2 * MEM:3 * MEM][:, None]
    ws = [w1a, w1b, w1c, b1c, W2, b2c, wir, wiz, win, whr, whz, whn,
          brz_r, brz_z, binc, bhnc]

    out_t = _tc_mega(mem_t, colid2, colcol, ef3, dlt2, offsets, ws)
    return out_t.T

# --- scband reference (transcript-rebuilt; emitter-appended) ---
"""Pipeline reference for scband-memory-module-32547262169238 (READ-ONLY COPY).

The authoritative reference and input builder live on the scoring server;
editing this copy changes nothing except your own understanding.
"""

import jax, jax.numpy as jnp
import numpy as np

N_NODES = 1000000
MEM = 64
INP = 64
MSG = 100
B = 16384


def setup_inputs(seed: int = 0) -> dict:
    key = jax.random.key(seed)
    ks = jax.random.split(key, 12)
    source_nodes = jax.random.randint(ks[0], (B,), 0, N_NODES, dtype=jnp.int32)
    edge_times = jax.random.uniform(ks[1], (B,), dtype=jnp.float32) * 1000.0
    edge_features = jax.random.normal(ks[2], (B, INP), dtype=jnp.float32)
    # persistent state (torch inits memory/last_update to zeros; use small randn memory for non-degenerate numerics)
    memory = jax.random.normal(ks[3], (N_NODES, MEM), dtype=jnp.float32) * 0.1
    last_update = jnp.zeros((N_NODES,), dtype=jnp.float32)
    # message_function: Linear(INP+MEM+1 -> MSG), ReLU, Linear(MSG -> MSG)
    W1 = jax.random.normal(ks[4], (MSG, INP + MEM + 1), dtype=jnp.float32) * 0.05
    b1 = jnp.zeros((MSG,), dtype=jnp.float32)
    W2 = jax.random.normal(ks[5], (MSG, MSG), dtype=jnp.float32) * 0.05
    b2 = jnp.zeros((MSG,), dtype=jnp.float32)
    # GRUCell(input=MSG, hidden=MEM): weight_ih [3*MEM, MSG], weight_hh [3*MEM, MEM]
    W_ih = jax.random.normal(ks[6], (3 * MEM, MSG), dtype=jnp.float32) * 0.05
    W_hh = jax.random.normal(ks[7], (3 * MEM, MEM), dtype=jnp.float32) * 0.05
    b_ih = jnp.zeros((3 * MEM,), dtype=jnp.float32)
    b_hh = jnp.zeros((3 * MEM,), dtype=jnp.float32)
    return {
        'source_nodes': source_nodes,
        'edge_times': edge_times,
        'edge_features': edge_features,
        'memory': memory,
        'last_update': last_update,
        'W1': W1, 'b1': b1, 'W2': W2, 'b2': b2,
        'W_ih': W_ih, 'W_hh': W_hh, 'b_ih': b_ih, 'b_hh': b_hh,
    }


def _gru_cell(x, h, W_ih, W_hh, b_ih, b_hh):
    gi = x @ W_ih.T + b_ih
    gh = h @ W_hh.T + b_hh
    i_r, i_z, i_n = jnp.split(gi, 3, axis=1)
    h_r, h_z, h_n = jnp.split(gh, 3, axis=1)
    r = jax.nn.sigmoid(i_r + h_r)
    z = jax.nn.sigmoid(i_z + h_z)
    n = jnp.tanh(i_n + r * h_n)
    return (1.0 - z) * n + z * h


def reference(source_nodes, edge_times, edge_features, memory, last_update,
              W1, b1, W2, b2, W_ih, W_hh, b_ih, b_hh):
    # compute_messages: gather memory + last_update for source nodes
    src_mem = jnp.take(memory, source_nodes, axis=0)
    src_last = jnp.take(last_update, source_nodes, axis=0)
    delta = edge_times - src_last
    msg_in = jnp.concatenate([src_mem, edge_features, delta[:, None]], axis=1)
    h1 = jax.nn.relu(msg_in @ W1.T + b1)
    messages = h1 @ W2.T + b2
    # update_memory: GRUCell then scatter-overwrite
    updated = _gru_cell(messages, src_mem, W_ih, W_hh, b_ih, b_hh)
    new_memory = memory.at[source_nodes].set(updated)
    return new_memory

if __name__ == "__main__":
    import jax
    _d = setup_inputs()
    print(jax.jit(kernel)(*tuple(_d.values())))

</pallas_src>

<mosaic_0001>
#map = affine_map<(d0, d1) -> (0, 0)>
#map1 = affine_map<(d0, d1) -> (0)>
module attributes {stable_mosaic.version = 14 : i64} {
  func.func @_sc_gather_body(%arg0: i32, %arg1: i32, %arg2: memref<1000000x1xf32, #tpu.memory_space<hbm>>, %arg3: memref<16384xi32, #tpu.memory_space<hbm>>, %arg4: memref<16384x1xf32, #tpu.memory_space<hbm>>, %arg5: memref<512xi32, #tpu.memory_space<vmem>>, %arg6: memref<512x1xf32, #tpu.memory_space<vmem>>, %arg7: memref<!tpu.dma_semaphore, #tpu.memory_space<semaphore_mem>>, %arg8: memref<!tpu.dma_semaphore, #tpu.memory_space<semaphore_mem>>) attributes {dimension_semantics = [#tpu.dimension_semantics<core_parallel>, #tpu.dimension_semantics<subcore_parallel>], iteration_bounds = array<i64: 2, 16>, scalar_prefetch = 0 : i64, scratch_operands = 4 : i64, tpu.core_type = #tpu.core_type<sc_vector_subcore>, window_params = [{transform_indices = #map}, {transform_indices = #map1}, {transform_indices = #map}]} {
    %mul3A = arith.constant 2 : i32
    %mul3A_0 = arith.muli %arg1, %mul3A : i32
    %add3A = arith.addi %mul3A_0, %arg0 : i32
    %mul3A_1 = arith.constant 512 : i32
    %mul3A_2 = arith.muli %add3A, %mul3A_1 : i32
    %dma_start3A = tpu.memref_slice %arg3[%mul3A_2] : memref<16384xi32, #tpu.memory_space<hbm>> -> memref<512xi32, #tpu.memory_space<hbm>>
    %dma_start3A_3 = tpu.memref_slice %arg3[%mul3A_2] : memref<16384xi32, #tpu.memory_space<hbm>> -> memref<512xi32, #tpu.memory_space<hbm>>
    tpu.enqueue_dma source(%dma_start3A_3 : memref<512xi32, #tpu.memory_space<hbm>>) target(%arg5 : memref<512xi32, #tpu.memory_space<vmem>>) target_semaphore(%arg7 : memref<!tpu.dma_semaphore, #tpu.memory_space<semaphore_mem>>)
    %dma_wait3A = tpu.memref_slice %arg3[%mul3A_2] : memref<16384xi32, #tpu.memory_space<hbm>> -> memref<512xi32, #tpu.memory_space<hbm>>
    %dma_wait3A_4 = tpu.memref_slice %arg3[%mul3A_2] : memref<16384xi32, #tpu.memory_space<hbm>> -> memref<512xi32, #tpu.memory_space<hbm>>
    tpu.wait_dma2 semaphore(%arg7 : memref<!tpu.dma_semaphore, #tpu.memory_space<semaphore_mem>>) src(%dma_wait3A_4 : memref<512xi32, #tpu.memory_space<hbm>>) dst(%arg5 : memref<512xi32, #tpu.memory_space<vmem>>)
    %dma_start3A_5 = arith.constant 0 : i32
    %dma_start3A_6 = arith.constant 0 : i32
    %dma_start3A_7 = tpu.memref_slice %arg2[%dma_start3A_5, %dma_start3A_6] : memref<1000000x1xf32, #tpu.memory_space<hbm>> -> memref<1000000x1xf32, #tpu.memory_space<hbm>>
    tpu.enqueue_indirect_dma source(%dma_start3A_7 : memref<1000000x1xf32, #tpu.memory_space<hbm>>) target(%arg6 : memref<512x1xf32, #tpu.memory_space<vmem>>) offsets(%arg5 : memref<512xi32, #tpu.memory_space<vmem>>) semaphore(%arg8 : memref<!tpu.dma_semaphore, #tpu.memory_space<semaphore_mem>>)
    %dma_wait3A_8 = arith.constant 0 : i32
    %dma_wait3A_9 = arith.constant 0 : i32
    %dma_wait3A_10 = tpu.memref_slice %arg2[%dma_wait3A_8, %dma_wait3A_9] : memref<1000000x1xf32, #tpu.memory_space<hbm>> -> memref<1000000x1xf32, #tpu.memory_space<hbm>>
    tpu.wait_indirect_dma semaphore(%arg8 : memref<!tpu.dma_semaphore, #tpu.memory_space<semaphore_mem>>) src(%dma_wait3A_10 : memref<1000000x1xf32, #tpu.memory_space<hbm>>) dst(%arg6 : memref<512x1xf32, #tpu.memory_space<vmem>>)
    "tpu.region"() ({
      %run_scoped3A = tpu.sem_alloc : memref<!tpu.dma_semaphore, #tpu.memory_space<semaphore_mem>>
      %dma_start3A_11 = arith.constant 0 : i32
      %dma_start3A_12 = tpu.memref_slice %arg4[%mul3A_2, %dma_start3A_11] : memref<16384x1xf32, #tpu.memory_space<hbm>> -> memref<512x1xf32, #tpu.memory_space<hbm>>
      %dma_start3A_13 = arith.constant 0 : i32
      %dma_start3A_14 = tpu.memref_slice %arg4[%mul3A_2, %dma_start3A_13] : memref<16384x1xf32, #tpu.memory_space<hbm>> -> memref<512x1xf32, #tpu.memory_space<hbm>>
      tpu.enqueue_dma source(%arg6 : memref<512x1xf32, #tpu.memory_space<vmem>>) target(%dma_start3A_14 : memref<512x1xf32, #tpu.memory_space<hbm>>) target_semaphore(%run_scoped3A : memref<!tpu.dma_semaphore, #tpu.memory_space<semaphore_mem>>)
      %dma_wait3A_15 = arith.constant 0 : i32
      %dma_wait3A_16 = tpu.memref_slice %arg4[%mul3A_2, %dma_wait3A_15] : memref<16384x1xf32, #tpu.memory_space<hbm>> -> memref<512x1xf32, #tpu.memory_space<hbm>>
      %dma_wait3A_17 = arith.constant 0 : i32
      %dma_wait3A_18 = tpu.memref_slice %arg4[%mul3A_2, %dma_wait3A_17] : memref<16384x1xf32, #tpu.memory_space<hbm>> -> memref<512x1xf32, #tpu.memory_space<hbm>>
      tpu.wait_dma2 semaphore(%run_scoped3A : memref<!tpu.dma_semaphore, #tpu.memory_space<semaphore_mem>>) src(%arg6 : memref<512x1xf32, #tpu.memory_space<vmem>>) dst(%dma_wait3A_18 : memref<512x1xf32, #tpu.memory_space<hbm>>)
      tpu.yield
    }) : () -> ()
    return
  }
}

module attributes {stable_mosaic.version = 14 : i64} {
  func.func @_mega_body(%arg0: i32, %arg1: memref<246xi32, #tpu.memory_space<smem>>, %arg2: memref<64x4096xf32, #tpu.memory_space<vmem>>, %arg3: memref<128x128xi32, #tpu.memory_space<vmem>>, %arg4: memref<16384x1xi32, #tpu.memory_space<vmem>>, %arg5: memref<128x64x128xf32, #tpu.memory_space<vmem>>, %arg6: memref<128x128xf32, #tpu.memory_space<vmem>>, %arg7: memref<100x64xf32, #tpu.memory_space<vmem>>, %arg8: memref<100x64xf32, #tpu.memory_space<vmem>>, %arg9: memref<100x1xf32, #tpu.memory_space<vmem>>, %arg10: memref<100x1xf32, #tpu.memory_space<vmem>>, %arg11: memref<100x100xf32, #tpu.memory_space<vmem>>, %arg12: memref<100x1xf32, #tpu.memory_space<vmem>>, %arg13: memref<64x100xf32, #tpu.memory_space<vmem>>, %arg14: memref<64x100xf32, #tpu.memory_space<vmem>>, %arg15: memref<64x100xf32, #tpu.memory_space<vmem>>, %arg16: memref<64x64xf32, #tpu.memory_space<vmem>>, %arg17: memref<64x64xf32, #tpu.memory_space<vmem>>, %arg18: memref<64x64xf32, #tpu.memory_space<vmem>>, %arg19: memref<64x1xf32, #tpu.memory_space<vmem>>, %arg20: memref<64x1xf32, #tpu.memory_space<vmem>>, %arg21: memref<64x1xf32, #tpu.memory_space<vmem>>, %arg22: memref<64x1xf32, #tpu.memory_space<vmem>>, %arg23: memref<64x4096xf32, #tpu.memory_space<vmem>>) attributes {dimension_semantics = [#tpu.dimension_semantics<arbitrary>], iteration_bounds = array<i64: 245>, scalar_prefetch = 0 : i64, scratch_operands = 0 : i64, tpu.core_type = #tpu.core_type<tc>, window_params = [{transform_indices = @transform_0, window_bounds = array<i64: 246>}, {transform_indices = @transform_1, window_bounds = array<i64: 64, 4096>}, {pipeline_mode = #tpu.pipeline_mode<synchronous>, transform_indices = @transform_2, window_bounds = array<i64: 128, 128>}, {pipeline_mode = #tpu.pipeline_mode<synchronous>, transform_indices = @transform_3, window_bounds = array<i64: 16384, 1>}, {pipeline_mode = #tpu.pipeline_mode<synchronous>, transform_indices = @transform_4, window_bounds = array<i64: 128, 64, 128>}, {pipeline_mode = #tpu.pipeline_mode<synchronous>, transform_indices = @transform_5, window_bounds = array<i64: 128, 128>}, {pipeline_mode = #tpu.pipeline_mode<synchronous>, transform_indices = @transform_6, window_bounds = array<i64: 100, 64>}, {pipeline_mode = #tpu.pipeline_mode<synchronous>, transform_indices = @transform_7, window_bounds = array<i64: 100, 64>}, {pipeline_mode = #tpu.pipeline_mode<synchronous>, transform_indices = @transform_8, window_bounds = array<i64: 100, 1>}, {pipeline_mode = #tpu.pipeline_mode<synchronous>, transform_indices = @transform_9, window_bounds = array<i64: 100, 1>}, {pipeline_mode = #tpu.pipeline_mode<synchronous>, transform_indices = @transform_10, window_bounds = array<i64: 100, 100>}, {pipeline_mode = #tpu.pipeline_mode<synchronous>, transform_indices = @transform_11, window_bounds = array<i64: 100, 1>}, {pipeline_mode = #tpu.pipeline_mode<synchronous>, transform_indices = @transform_12, window_bounds = array<i64: 64, 100>}, {pipeline_mode = #tpu.pipeline_mode<synchronous>, transform_indices = @transform_13, window_bounds = array<i64: 64, 100>}, {pipeline_mode = #tpu.pipeline_mode<synchronous>, transform_indices = @transform_14, window_bounds = array<i64: 64, 100>}, {pipeline_mode = #tpu.pipeline_mode<synchronous>, transform_indices = @transform_15, window_bounds = array<i64: 64, 64>}, {pipeline_mode = #tpu.pipeline_mode<synchronous>, transform_indices = @transform_16, window_bounds = array<i64: 64, 64>}, {pipeline_mode = #tpu.pipeline_mode<synchronous>, transform_indices = @transform_17, window_bounds = array<i64: 64, 64>}, {pipeline_mode = #tpu.pipeline_mode<synchronous>, transform_indices = @transform_18, window_bounds = array<i64: 64, 1>}, {pipeline_mode = #tpu.pipeline_mode<synchronous>, transform_indices = @transform_19, window_bounds = array<i64: 64, 1>}, {pipeline_mode = #tpu.pipeline_mode<synchronous>, transform_indices = @transform_20, window_bounds = array<i64: 64, 1>}, {pipeline_mode = #tpu.pipeline_mode<synchronous>, transform_indices = @transform_21, window_bounds = array<i64: 64, 1>}, {transform_indices = @transform_22, window_bounds = array<i64: 64, 4096>}]} {
    %mul3A = arith.constant 4096 : i32
    %mul3A_0 = arith.muli %arg0, %mul3A : i32
    %get3A = arith.constant 0 : index
    %get3A_1 = arith.constant 0 : index
    %get3A_2 = vector.load %arg2[%get3A, %get3A_1] : memref<64x4096xf32, #tpu.memory_space<vmem>>, vector<64x4096xf32>
    %swap3A = arith.constant 0 : index
    %swap3A_3 = arith.constant 0 : index
    %swap3A_4 = vector.load %arg23[%swap3A, %swap3A_3] : memref<64x4096xf32, #tpu.memory_space<vmem>>, vector<64x4096xf32>
    tpu.vector_store %arg23[%swap3A, %swap3A_3], %get3A_2 {strides = array<i32>} : memref<64x4096xf32, #tpu.memory_space<vmem>>, vector<64x4096xf32>,
    %iota3A = tpu.iota {dimensions = array<i32: 1>} : vector<1x4096xi32>
    %add3A = vector.broadcast %mul3A_0 : i32 to vector<1x4096xi32>
    %add3A_5 = arith.addi %add3A, %iota3A : vector<1x4096xi32>
    %lt3A = arith.constant 1000000 : i32
    %lt3A_6 = vector.broadcast %lt3A : i32 to vector<1x4096xi32>
    %lt3A_7 = arith.cmpi slt, %add3A_5, %lt3A_6 : vector<1x4096xi32>
    %broadcast_in_dim3A = vector.shape_cast %lt3A_7 : vector<1x4096xi1> to vector<1x4096xi1>
    %broadcast_in_dim3A_8 = vector.broadcast %broadcast_in_dim3A : vector<1x4096xi1> to vector<64x4096xi1>
    %get3A_9 = arith.constant 0 : index
    %get3A_10 = arith.constant 0 : index
    %get3A_11 = vector.load %arg2[%get3A_9, %get3A_10] : memref<64x4096xf32, #tpu.memory_space<vmem>>, vector<64x4096xf32>
    %jit3A = arith.constant 0.000000e+00 : f32
    %broadcast_in_dim3A_12 = vector.broadcast %jit3A : f32 to vector<64x4096xf32>
    %select_n3A = arith.select %broadcast_in_dim3A_8, %get3A_11, %broadcast_in_dim3A_12 : vector<64x4096xi1>, vector<64x4096xf32>
    %get3A_13 = arith.index_cast %arg0 : i32 to index
    %get3A_14 = memref.load %arg1[%get3A_13] : memref<246xi32, #tpu.memory_space<smem>>
    %jit3A_15 = arith.constant 128 : i32
    %div3A = arith.divsi %get3A_14, %jit3A_15 : i32
    %sign3A = arith.constant 0 : i32
    %sign3A_16 = arith.cmpi sgt, %get3A_14, %sign3A : i32
    %sign3A_17 = arith.extui %sign3A_16 : i1 to i32
    %sign3A_18 = arith.constant 0 : i32
    %sign3A_19 = arith.cmpi slt, %get3A_14, %sign3A_18 : i32
    %sign3A_20 = arith.extui %sign3A_19 : i1 to i32
    %sign3A_21 = arith.subi %sign3A_17, %sign3A_20 : i32
    %sign3A_22 = arith.constant 0 : i32
    %sign3A_23 = arith.cmpi sgt, %jit3A_15, %sign3A_22 : i32
    %sign3A_24 = arith.extui %sign3A_23 : i1 to i32
    %sign3A_25 = arith.constant 0 : i32
    %sign3A_26 = arith.cmpi slt, %jit3A_15, %sign3A_25 : i32
    %sign3A_27 = arith.extui %sign3A_26 : i1 to i32
    %sign3A_28 = arith.subi %sign3A_24, %sign3A_27 : i32
    %ne3A = arith.cmpi ne, %sign3A_21, %sign3A_28 : i32
    %rem3A = arith.remsi %get3A_14, %jit3A_15 : i32
    %ne3A_29 = arith.constant 0 : i32
    %ne3A_30 = arith.cmpi ne, %rem3A, %ne3A_29 : i32
    %and3A = arith.andi %ne3A, %ne3A_30 : i1
    %sub3A = arith.constant 1 : i32
    %sub3A_31 = arith.subi %div3A, %sub3A : i32
    %select_n3A_32 = arith.select %and3A, %sub3A_31, %div3A : i32
    %add3A_33 = arith.constant 1 : i32
    %add3A_34 = arith.addi %arg0, %add3A_33 : i32
    %get3A_35 = arith.index_cast %add3A_34 : i32 to index
    %get3A_36 = memref.load %arg1[%get3A_35] : memref<246xi32, #tpu.memory_space<smem>>
    %add3A_37 = arith.constant 127 : i32
    %add3A_38 = arith.addi %get3A_36, %add3A_37 : i32
    %jit3A_39 = arith.constant 128 : i32
    %div3A_40 = arith.divsi %add3A_38, %jit3A_39 : i32
    %sign3A_41 = arith.constant 0 : i32
    %sign3A_42 = arith.cmpi sgt, %add3A_38, %sign3A_41 : i32
    %sign3A_43 = arith.extui %sign3A_42 : i1 to i32
    %sign3A_44 = arith.constant 0 : i32
    %sign3A_45 = arith.cmpi slt, %add3A_38, %sign3A_44 : i32
    %sign3A_46 = arith.extui %sign3A_45 : i1 to i32
    %sign3A_47 = arith.subi %sign3A_43, %sign3A_46 : i32
    %sign3A_48 = arith.constant 0 : i32
    %sign3A_49 = arith.cmpi sgt, %jit3A_39, %sign3A_48 : i32
    %sign3A_50 = arith.extui %sign3A_49 : i1 to i32
    %sign3A_51 = arith.constant 0 : i32
    %sign3A_52 = arith.cmpi slt, %jit3A_39, %sign3A_51 : i32
    %sign3A_53 = arith.extui %sign3A_52 : i1 to i32
    %sign3A_54 = arith.subi %sign3A_50, %sign3A_53 : i32
    %ne3A_55 = arith.cmpi ne, %sign3A_47, %sign3A_54 : i32
    %rem3A_56 = arith.remsi %add3A_38, %jit3A_39 : i32
    %ne3A_57 = arith.constant 0 : i32
    %ne3A_58 = arith.cmpi ne, %rem3A_56, %ne3A_57 : i32
    %and3A_59 = arith.andi %ne3A_55, %ne3A_58 : i1
    %sub3A_60 = arith.constant 1 : i32
    %sub3A_61 = arith.subi %div3A_40, %sub3A_60 : i32
    %select_n3A_62 = arith.select %and3A_59, %sub3A_61, %div3A_40 : i32
    %while3A = arith.constant 0 : i32
    %while3A_63 = arith.subi %select_n3A_62, %select_n3A_32 : i32
    %while3A_64 = arith.addi %select_n3A_32, %while3A_63 : i32
    %while3A_65 = arith.constant 1 : i32
    %while3A_66 = arith.divsi %while3A_63, %while3A_65 : i32
    %while3A_67 = arith.muli %while3A_66, %while3A_65 : i32
    %while3A_68 = arith.addi %select_n3A_32, %while3A_67 : i32
    %while3A_69 = arith.constant 1 : i32
    scf.for %while3A_71 = %select_n3A_32 to %while3A_68 step %while3A_69  : i32 {
      %mul3A_72 = arith.constant 128 : i32
      %mul3A_73 = arith.muli %while3A_71, %mul3A_72 : i32
      %multiple_of3A = tpu.assume_multiple %mul3A_73, 128 : i32
      %get3A_74 = arith.index_cast %while3A_71 : i32 to index
      %get3A_75 = arith.constant 0 : index
      %get3A_76 = vector.load %arg3[%get3A_74, %get3A_75] : memref<128x128xi32, #tpu.memory_space<vmem>>, vector<1x128xi32>
      %sub3A_77 = vector.broadcast %mul3A_0 : i32 to vector<1x128xi32>
      %sub3A_78 = arith.subi %get3A_76, %sub3A_77 : vector<1x128xi32>
      %get3A_79 = arith.index_cast %multiple_of3A : i32 to index
      %get3A_80 = arith.constant 0 : index
      %get3A_81 = vector.load %arg4[%get3A_79, %get3A_80] : memref<16384x1xi32, #tpu.memory_space<vmem>>, vector<128x1xi32>
      %sub3A_82 = vector.broadcast %mul3A_0 : i32 to vector<128x1xi32>
      %sub3A_83 = arith.subi %get3A_81, %sub3A_82 : vector<128x1xi32>
      %iota3A_84 = tpu.iota {dimensions = array<i32: 0>} : vector<4096x128xi32>
      %eq3A = vector.broadcast %sub3A_78 : vector<1x128xi32> to vector<4096x128xi32>
      %eq3A_85 = arith.cmpi eq, %iota3A_84, %eq3A : vector<4096x128xi32>
      %convert_element_type3A = arith.extui %eq3A_85 : vector<4096x128xi1> to vector<4096x128xi32>
      %convert_element_type3A_86 = arith.sitofp %convert_element_type3A : vector<4096x128xi32> to vector<4096x128xf32>
      %dot_general3A = arith.constant dense<0.000000e+00> : vector<64x128xf32>
      %dot_general3A_87 = tpu.matmul %select_n3A, %convert_element_type3A_86, %dot_general3A {dimension_numbers = #tpu.dot_dimension_numbers<[1], [0], [0], [1], [0, 0, 1, 1], [], []>, transpose_lhs_hint = false} : vector<64x4096xf32>, vector<4096x128xf32>, vector<64x128xf32> -> vector<64x128xf32>
      %get3A_88 = arith.index_cast %while3A_71 : i32 to index
      %get3A_89 = arith.constant 0 : index
      %get3A_90 = arith.constant 0 : index
      %get3A_91 = vector.load %arg5[%get3A_88, %get3A_89, %get3A_90] : memref<128x64x128xf32, #tpu.memory_space<vmem>>, vector<1x64x128xf32>
      %squeeze3A = vector.shape_cast %get3A_91 : vector<1x64x128xf32> to vector<64x128xf32>
      %get3A_92 = arith.index_cast %while3A_71 : i32 to index
      %get3A_93 = arith.constant 0 : index
      %get3A_94 = vector.load %arg6[%get3A_92, %get3A_93] : memref<128x128xf32, #tpu.memory_space<vmem>>, vector<1x128xf32>
      %get3A_95 = arith.constant 0 : index
      %get3A_96 = arith.constant 0 : index
      %get3A_97 = vector.load %arg7[%get3A_95, %get3A_96] : memref<100x64xf32, #tpu.memory_space<vmem>>, vector<100x64xf32>
      %dot_general3A_98 = arith.constant dense<0.000000e+00> : vector<100x128xf32>
      %dot_general3A_99 = tpu.matmul %get3A_97, %dot_general3A_87, %dot_general3A_98 {dimension_numbers = #tpu.dot_dimension_numbers<[1], [0], [0], [1], [0, 0, 1, 1], [], []>, transpose_lhs_hint = false} : vector<100x64xf32>, vector<64x128xf32>, vector<100x128xf32> -> vector<100x128xf32>
      %get3A_100 = arith.constant 0 : index
      %get3A_101 = arith.constant 0 : index
      %get3A_102 = vector.load %arg8[%get3A_100, %get3A_101] : memref<100x64xf32, #tpu.memory_space<vmem>>, vector<100x64xf32>
      %dot_general3A_103 = arith.constant dense<0.000000e+00> : vector<100x128xf32>
      %dot_general3A_104 = tpu.matmul %get3A_102, %squeeze3A, %dot_general3A_103 {dimension_numbers = #tpu.dot_dimension_numbers<[1], [0], [0], [1], [0, 0, 1, 1], [], []>, transpose_lhs_hint = false} : vector<100x64xf32>, vector<64x128xf32>, vector<100x128xf32> -> vector<100x128xf32>
      %add3A_105 = arith.addf %dot_general3A_99, %dot_general3A_104 : vector<100x128xf32>
      %get3A_106 = arith.constant 0 : index
      %get3A_107 = arith.constant 0 : index
      %get3A_108 = vector.load %arg9[%get3A_106, %get3A_107] : memref<100x1xf32, #tpu.memory_space<vmem>>, vector<100x1xf32>
      %mul3A_109 = vector.broadcast %get3A_108 : vector<100x1xf32> to vector<100x128xf32>
      %mul3A_110 = vector.broadcast %get3A_94 : vector<1x128xf32> to vector<100x128xf32>
      %mul3A_111 = arith.mulf %mul3A_109, %mul3A_110 : vector<100x128xf32>
      %add3A_112 = arith.addf %add3A_105, %mul3A_111 : vector<100x128xf32>
      %get3A_113 = arith.constant 0 : index
      %get3A_114 = arith.constant 0 : index
      %get3A_115 = vector.load %arg10[%get3A_113, %get3A_114] : memref<100x1xf32, #tpu.memory_space<vmem>>, vector<100x1xf32>
      %add3A_116 = vector.broadcast %get3A_115 : vector<100x1xf32> to vector<100x128xf32>
      %add3A_117 = arith.addf %add3A_112, %add3A_116 : vector<100x128xf32>
      %max3A = arith.constant 0.000000e+00 : f32
      %max3A_118 = vector.broadcast %max3A : f32 to vector<100x128xf32>
      %max3A_119 = arith.maximumf %add3A_117, %max3A_118 : vector<100x128xf32>
      %get3A_120 = arith.constant 0 : index
      %get3A_121 = arith.constant 0 : index
      %get3A_122 = vector.load %arg11[%get3A_120, %get3A_121] : memref<100x100xf32, #tpu.memory_space<vmem>>, vector<100x100xf32>
      %dot_general3A_123 = arith.constant dense<0.000000e+00> : vector<100x128xf32>
      %dot_general3A_124 = tpu.matmul %get3A_122, %max3A_119, %dot_general3A_123 {dimension_numbers = #tpu.dot_dimension_numbers<[1], [0], [0], [1], [0, 0, 1, 1], [], []>, transpose_lhs_hint = false} : vector<100x100xf32>, vector<100x128xf32>, vector<100x128xf32> -> vector<100x128xf32>
      %get3A_125 = arith.constant 0 : index
      %get3A_126 = arith.constant 0 : index
      %get3A_127 = vector.load %arg12[%get3A_125, %get3A_126] : memref<100x1xf32, #tpu.memory_space<vmem>>, vector<100x1xf32>
      %add3A_128 = vector.broadcast %get3A_127 : vector<100x1xf32> to vector<100x128xf32>
      %add3A_129 = arith.addf %dot_general3A_124, %add3A_128 : vector<100x128xf32>
      %get3A_130 = arith.constant 0 : index
      %get3A_131 = arith.constant 0 : index
      %get3A_132 = vector.load %arg13[%get3A_130, %get3A_131] : memref<64x100xf32, #tpu.memory_space<vmem>>, vector<64x100xf32>
      %dot_general3A_133 = arith.constant dense<0.000000e+00> : vector<64x128xf32>
      %dot_general3A_134 = tpu.matmul %get3A_132, %add3A_129, %dot_general3A_133 {dimension_numbers = #tpu.dot_dimension_numbers<[1], [0], [0], [1], [0, 0, 1, 1], [], []>, transpose_lhs_hint = false} : vector<64x100xf32>, vector<100x128xf32>, vector<64x128xf32> -> vector<64x128xf32>
      %get3A_135 = arith.constant 0 : index
      %get3A_136 = arith.constant 0 : index
      %get3A_137 = vector.load %arg16[%get3A_135, %get3A_136] : memref<64x64xf32, #tpu.memory_space<vmem>>, vector<64x64xf32>
      %dot_general3A_138 = arith.constant dense<0.000000e+00> : vector<64x128xf32>
      %dot_general3A_139 = tpu.matmul %get3A_137, %dot_general3A_87, %dot_general3A_138 {dimension_numbers = #tpu.dot_dimension_numbers<[1], [0], [0], [1], [0, 0, 1, 1], [], []>, transpose_lhs_hint = false} : vector<64x64xf32>, vector<64x128xf32>, vector<64x128xf32> -> vector<64x128xf32>
      %add3A_140 = arith.addf %dot_general3A_134, %dot_general3A_139 : vector<64x128xf32>
      %get3A_141 = arith.constant 0 : index
      %get3A_142 = arith.constant 0 : index
      %get3A_143 = vector.load %arg19[%get3A_141, %get3A_142] : memref<64x1xf32, #tpu.memory_space<vmem>>, vector<64x1xf32>
      %add3A_144 = vector.broadcast %get3A_143 : vector<64x1xf32> to vector<64x128xf32>
      %add3A_145 = arith.addf %add3A_140, %add3A_144 : vector<64x128xf32>
      %logistic3A = arith.negf %add3A_145 : vector<64x128xf32>
      %logistic3A_146 = math.exp %logistic3A : vector<64x128xf32>
      %logistic3A_147 = arith.constant 1.000000e+00 : f32
      %logistic3A_148 = vector.broadcast %logistic3A_147 : f32 to vector<64x128xf32>
      %logistic3A_149 = arith.addf %logistic3A_148, %logistic3A_146 : vector<64x128xf32>
      %logistic3A_150 = arith.divf %logistic3A_148, %logistic3A_149 : vector<64x128xf32>
      %get3A_151 = arith.constant 0 : index
      %get3A_152 = arith.constant 0 : index
      %get3A_153 = vector.load %arg14[%get3A_151, %get3A_152] : memref<64x100xf32, #tpu.memory_space<vmem>>, vector<64x100xf32>
      %dot_general3A_154 = arith.constant dense<0.000000e+00> : vector<64x128xf32>
      %dot_general3A_155 = tpu.matmul %get3A_153, %add3A_129, %dot_general3A_154 {dimension_numbers = #tpu.dot_dimension_numbers<[1], [0], [0], [1], [0, 0, 1, 1], [], []>, transpose_lhs_hint = false} : vector<64x100xf32>, vector<100x128xf32>, vector<64x128xf32> -> vector<64x128xf32>
      %get3A_156 = arith.constant 0 : index
      %get3A_157 = arith.constant 0 : index
      %get3A_158 = vector.load %arg17[%get3A_156, %get3A_157] : memref<64x64xf32, #tpu.memory_space<vmem>>, vector<64x64xf32>
      %dot_general3A_159 = arith.constant dense<0.000000e+00> : vector<64x128xf32>
      %dot_general3A_160 = tpu.matmul %get3A_158, %dot_general3A_87, %dot_general3A_159 {dimension_numbers = #tpu.dot_dimension_numbers<[1], [0], [0], [1], [0, 0, 1, 1], [], []>, transpose_lhs_hint = false} : vector<64x64xf32>, vector<64x128xf32>, vector<64x128xf32> -> vector<64x128xf32>
      %add3A_161 = arith.addf %dot_general3A_155, %dot_general3A_160 : vector<64x128xf32>
      %get3A_162 = arith.constant 0 : index
      %get3A_163 = arith.constant 0 : index
      %get3A_164 = vector.load %arg20[%get3A_162, %get3A_163] : memref<64x1xf32, #tpu.memory_space<vmem>>, vector<64x1xf32>
      %add3A_165 = vector.broadcast %get3A_164 : vector<64x1xf32> to vector<64x128xf32>
      %add3A_166 = arith.addf %add3A_161, %add3A_165 : vector<64x128xf32>
      %logistic3A_167 = arith.negf %add3A_166 : vector<64x128xf32>
      %logistic3A_168 = math.exp %logistic3A_167 : vector<64x128xf32>
      %logistic3A_169 = arith.constant 1.000000e+00 : f32
      %logistic3A_170 = vector.broadcast %logistic3A_169 : f32 to vector<64x128xf32>
      %logistic3A_171 = arith.addf %logistic3A_170, %logistic3A_168 : vector<64x128xf32>
      %logistic3A_172 = arith.divf %logistic3A_170, %logistic3A_171 : vector<64x128xf32>
      %get3A_173 = arith.constant 0 : index
      %get3A_174 = arith.constant 0 : index
      %get3A_175 = vector.load %arg18[%get3A_173, %get3A_174] : memref<64x64xf32, #tpu.memory_space<vmem>>, vector<64x64xf32>
      %dot_general3A_176 = arith.constant dense<0.000000e+00> : vector<64x128xf32>
      %dot_general3A_177 = tpu.matmul %get3A_175, %dot_general3A_87, %dot_general3A_176 {dimension_numbers = #tpu.dot_dimension_numbers<[1], [0], [0], [1], [0, 0, 1, 1], [], []>, transpose_lhs_hint = false} : vector<64x64xf32>, vector<64x128xf32>, vector<64x128xf32> -> vector<64x128xf32>
      %get3A_178 = arith.constant 0 : index
      %get3A_179 = arith.constant 0 : index
      %get3A_180 = vector.load %arg22[%get3A_178, %get3A_179] : memref<64x1xf32, #tpu.memory_space<vmem>>, vector<64x1xf32>
      %add3A_181 = vector.broadcast %get3A_180 : vector<64x1xf32> to vector<64x128xf32>
      %add3A_182 = arith.addf %dot_general3A_177, %add3A_181 : vector<64x128xf32>
      %get3A_183 = arith.constant 0 : index
      %get3A_184 = arith.constant 0 : index
      %get3A_185 = vector.load %arg15[%get3A_183, %get3A_184] : memref<64x100xf32, #tpu.memory_space<vmem>>, vector<64x100xf32>
      %dot_general3A_186 = arith.constant dense<0.000000e+00> : vector<64x128xf32>
      %dot_general3A_187 = tpu.matmul %get3A_185, %add3A_129, %dot_general3A_186 {dimension_numbers = #tpu.dot_dimension_numbers<[1], [0], [0], [1], [0, 0, 1, 1], [], []>, transpose_lhs_hint = false} : vector<64x100xf32>, vector<100x128xf32>, vector<64x128xf32> -> vector<64x128xf32>
      %get3A_188 = arith.constant 0 : index
      %get3A_189 = arith.constant 0 : index
      %get3A_190 = vector.load %arg21[%get3A_188, %get3A_189] : memref<64x1xf32, #tpu.memory_space<vmem>>, vector<64x1xf32>
      %add3A_191 = vector.broadcast %get3A_190 : vector<64x1xf32> to vector<64x128xf32>
      %add3A_192 = arith.addf %dot_general3A_187, %add3A_191 : vector<64x128xf32>
      %mul3A_193 = arith.mulf %logistic3A_150, %add3A_182 : vector<64x128xf32>
      %add3A_194 = arith.addf %add3A_192, %mul3A_193 : vector<64x128xf32>
      %tanh3A = math.tanh %add3A_194 : vector<64x128xf32>
      %sub3A_195 = arith.constant 1.000000e+00 : f32
      %sub3A_196 = vector.broadcast %sub3A_195 : f32 to vector<64x128xf32>
      %sub3A_197 = arith.subf %sub3A_196, %logistic3A_172 : vector<64x128xf32>
      %mul3A_198 = arith.mulf %sub3A_197, %tanh3A : vector<64x128xf32>
      %mul3A_199 = arith.mulf %logistic3A_172, %dot_general3A_87 : vector<64x128xf32>
      %add3A_200 = arith.addf %mul3A_198, %mul3A_199 : vector<64x128xf32>
      %iota3A_201 = tpu.iota {dimensions = array<i32: 1>} : vector<128x4096xi32>
      %le3A = vector.broadcast %sub3A_83 : vector<128x1xi32> to vector<128x4096xi32>
      %le3A_202 = arith.cmpi sle, %le3A, %iota3A_201 : vector<128x4096xi32>
      %convert_element_type3A_203 = arith.extui %le3A_202 : vector<128x4096xi1> to vector<128x4096xi32>
      %convert_element_type3A_204 = arith.sitofp %convert_element_type3A_203 : vector<128x4096xi32> to vector<128x4096xf32>
      %broadcast_in_dim3A_205 = arith.constant 1.000000e+00 : f32
      %broadcast_in_dim3A_206 = vector.broadcast %broadcast_in_dim3A_205 : f32 to vector<1x128xf32>
      %dot_general3A_207 = arith.constant dense<0.000000e+00> : vector<1x4096xf32>
      %dot_general3A_208 = tpu.matmul %broadcast_in_dim3A_206, %convert_element_type3A_204, %dot_general3A_207 {dimension_numbers = #tpu.dot_dimension_numbers<[1], [0], [0], [1], [0, 0, 1, 1], [], []>, transpose_lhs_hint = false} : vector<1x128xf32>, vector<128x4096xf32>, vector<1x4096xf32> -> vector<1x4096xf32>
      %convert_element_type3A_209 = arith.fptosi %dot_general3A_208 : vector<1x4096xf32> to vector<1x4096xi32>
      %sub3A_210 = arith.constant 1 : i32
      %sub3A_211 = vector.broadcast %sub3A_210 : i32 to vector<1x4096xi32>
      %sub3A_212 = arith.subi %convert_element_type3A_209, %sub3A_211 : vector<1x4096xi32>
      %lt3A_213 = arith.constant 0 : i32
      %lt3A_214 = vector.broadcast %lt3A_213 : i32 to vector<128x1xi32>
      %lt3A_215 = arith.cmpi slt, %sub3A_83, %lt3A_214 : vector<128x1xi32>
      %convert_element_type3A_216 = arith.extui %lt3A_215 : vector<128x1xi1> to vector<128x1xi32>
      %convert_element_type3A_217 = arith.sitofp %convert_element_type3A_216 : vector<128x1xi32> to vector<128x1xf32>
      %dot_general3A_218 = arith.constant dense<0.000000e+00> : vector<1x1xf32>
      %dot_general3A_219 = tpu.matmul %broadcast_in_dim3A_206, %convert_element_type3A_217, %dot_general3A_218 {dimension_numbers = #tpu.dot_dimension_numbers<[1], [0], [0], [1], [0, 0, 1, 1], [], []>, transpose_lhs_hint = false} : vector<1x128xf32>, vector<128x1xf32>, vector<1x1xf32> -> vector<1x1xf32>
      %slice3A = vector.extract_strided_slice %dot_general3A_208 {offsets = [0, 0], sizes = [1, 4095], strides = [1, 1]} : vector<1x4096xf32> to vector<1x4095xf32>
      %concatenate3A = tpu.concatenate %dot_general3A_219, %slice3A in 1 : vector<1x1xf32>, vector<1x4095xf32> -> vector<1x4096xf32>
      %gt3A = arith.cmpf ogt, %dot_general3A_208, %concatenate3A : vector<1x4096xf32>
      %iota3A_220 = tpu.iota {dimensions = array<i32: 0>} : vector<128x4096xi32>
      %eq3A_221 = vector.broadcast %sub3A_212 : vector<1x4096xi32> to vector<128x4096xi32>
      %eq3A_222 = arith.cmpi eq, %iota3A_220, %eq3A_221 : vector<128x4096xi32>
      %convert_element_type3A_223 = arith.extui %eq3A_222 : vector<128x4096xi1> to vector<128x4096xi32>
      %convert_element_type3A_224 = arith.sitofp %convert_element_type3A_223 : vector<128x4096xi32> to vector<128x4096xf32>
      %dot_general3A_225 = arith.constant dense<0.000000e+00> : vector<64x4096xf32>
      %dot_general3A_226 = tpu.matmul %add3A_200, %convert_element_type3A_224, %dot_general3A_225 {dimension_numbers = #tpu.dot_dimension_numbers<[1], [0], [0], [1], [0, 0, 1, 1], [], []>, transpose_lhs_hint = false} : vector<64x128xf32>, vector<128x4096xf32>, vector<64x4096xf32> -> vector<64x4096xf32>
      %broadcast_in_dim3A_227 = vector.shape_cast %gt3A : vector<1x4096xi1> to vector<1x4096xi1>
      %broadcast_in_dim3A_228 = vector.broadcast %broadcast_in_dim3A_227 : vector<1x4096xi1> to vector<64x4096xi1>
      %get3A_229 = arith.constant 0 : index
      %get3A_230 = arith.constant 0 : index
      %get3A_231 = vector.load %arg23[%get3A_229, %get3A_230] : memref<64x4096xf32, #tpu.memory_space<vmem>>, vector<64x4096xf32>
      %select_n3A_232 = arith.select %broadcast_in_dim3A_228, %dot_general3A_226, %get3A_231 : vector<64x4096xi1>, vector<64x4096xf32>
      %swap3A_233 = arith.constant 0 : index
      %swap3A_234 = arith.constant 0 : index
      %swap3A_235 = vector.load %arg23[%swap3A_233, %swap3A_234] : memref<64x4096xf32, #tpu.memory_space<vmem>>, vector<64x4096xf32>
      tpu.vector_store %arg23[%swap3A_233, %swap3A_234], %select_n3A_232 {strides = array<i32>} : memref<64x4096xf32, #tpu.memory_space<vmem>>, vector<64x4096xf32>,
    }
    %while3A_70 = arith.constant 1 : i32
    scf.for %while3A_71 = %while3A_68 to %while3A_64 step %while3A_70  : i32 {
      %mul3A_72 = arith.constant 128 : i32
      %mul3A_73 = arith.muli %while3A_71, %mul3A_72 : i32
      %multiple_of3A = tpu.assume_multiple %mul3A_73, 128 : i32
      %get3A_74 = arith.index_cast %while3A_71 : i32 to index
      %get3A_75 = arith.constant 0 : index
      %get3A_76 = vector.load %arg3[%get3A_74, %get3A_75] : memref<128x128xi32, #tpu.memory_space<vmem>>, vector<1x128xi32>
      %sub3A_77 = vector.broadcast %mul3A_0 : i32 to vector<1x128xi32>
      %sub3A_78 = arith.subi %get3A_76, %sub3A_77 : vector<1x128xi32>
      %get3A_79 = arith.index_cast %multiple_of3A : i32 to index
      %get3A_80 = arith.constant 0 : index
      %get3A_81 = vector.load %arg4[%get3A_79, %get3A_80] : memref<16384x1xi32, #tpu.memory_space<vmem>>, vector<128x1xi32>
      %sub3A_82 = vector.broadcast %mul3A_0 : i32 to vector<128x1xi32>
      %sub3A_83 = arith.subi %get3A_81, %sub3A_82 : vector<128x1xi32>
      %iota3A_84 = tpu.iota {dimensions = array<i32: 0>} : vector<4096x128xi32>
      %eq3A = vector.broadcast %sub3A_78 : vector<1x128xi32> to vector<4096x128xi32>
      %eq3A_85 = arith.cmpi eq, %iota3A_84, %eq3A : vector<4096x128xi32>
      %convert_element_type3A = arith.extui %eq3A_85 : vector<4096x128xi1> to vector<4096x128xi32>
      %convert_element_type3A_86 = arith.sitofp %convert_element_type3A : vector<4096x128xi32> to vector<4096x128xf32>
      %dot_general3A = arith.constant dense<0.000000e+00> : vector<64x128xf32>
      %dot_general3A_87 = tpu.matmul %select_n3A, %convert_element_type3A_86, %dot_general3A {dimension_numbers = #tpu.dot_dimension_numbers<[1], [0], [0], [1], [0, 0, 1, 1], [], []>, transpose_lhs_hint = false} : vector<64x4096xf32>, vector<4096x128xf32>, vector<64x128xf32> -> vector<64x128xf32>
      %get3A_88 = arith.index_cast %while3A_71 : i32 to index
      %get3A_89 = arith.constant 0 : index
      %get3A_90 = arith.constant 0 : index
      %get3A_91 = vector.load %arg5[%get3A_88, %get3A_89, %get3A_90] : memref<128x64x128xf32, #tpu.memory_space<vmem>>, vector<1x64x128xf32>
      %squeeze3A = vector.shape_cast %get3A_91 : vector<1x64x128xf32> to vector<64x128xf32>
      %get3A_92 = arith.index_cast %while3A_71 : i32 to index
      %get3A_93 = arith.constant 0 : index
      %get3A_94 = vector.load %arg6[%get3A_92, %get3A_93] : memref<128x128xf32, #tpu.memory_space<vmem>>, vector<1x128xf32>
      %get3A_95 = arith.constant 0 : index
      %get3A_96 = arith.constant 0 : index
      %get3A_97 = vector.load %arg7[%get3A_95, %get3A_96] : memref<100x64xf32, #tpu.memory_space<vmem>>, vector<100x64xf32>
      %dot_general3A_98 = arith.constant dense<0.000000e+00> : vector<100x128xf32>
      %dot_general3A_99 = tpu.matmul %get3A_97, %dot_general3A_87, %dot_general3A_98 {dimension_numbers = #tpu.dot_dimension_numbers<[1], [0], [0], [1], [0, 0, 1, 1], [], []>, transpose_lhs_hint = false} : vector<100x64xf32>, vector<64x128xf32>, vector<100x128xf32> -> vector<100x128xf32>
      %get3A_100 = arith.constant 0 : index
      %get3A_101 = arith.constant 0 : index
      %get3A_102 = vector.load %arg8[%get3A_100, %get3A_101] : memref<100x64xf32, #tpu.memory_space<vmem>>, vector<100x64xf32>
      %dot_general3A_103 = arith.constant dense<0.000000e+00> : vector<100x128xf32>
      %dot_general3A_104 = tpu.matmul %get3A_102, %squeeze3A, %dot_general3A_103 {dimension_numbers = #tpu.dot_dimension_numbers<[1], [0], [0], [1], [0, 0, 1, 1], [], []>, transpose_lhs_hint = false} : vector<100x64xf32>, vector<64x128xf32>, vector<100x128xf32> -> vector<100x128xf32>
      %add3A_105 = arith.addf %dot_general3A_99, %dot_general3A_104 : vector<100x128xf32>
      %get3A_106 = arith.constant 0 : index
      %get3A_107 = arith.constant 0 : index
      %get3A_108 = vector.load %arg9[%get3A_106, %get3A_107] : memref<100x1xf32, #tpu.memory_space<vmem>>, vector<100x1xf32>
      %mul3A_109 = vector.broadcast %get3A_108 : vector<100x1xf32> to vector<100x128xf32>
      %mul3A_110 = vector.broadcast %get3A_94 : vector<1x128xf32> to vector<100x128xf32>
      %mul3A_111 = arith.mulf %mul3A_109, %mul3A_110 : vector<100x128xf32>
      %add3A_112 = arith.addf %add3A_105, %mul3A_111 : vector<100x128xf32>
      %get3A_113 = arith.constant 0 : index
      %get3A_114 = arith.constant 0 : index
      %get3A_115 = vector.load %arg10[%get3A_113, %get3A_114] : memref<100x1xf32, #tpu.memory_space<vmem>>, vector<100x1xf32>
      %add3A_116 = vector.broadcast %get3A_115 : vector<100x1xf32> to vector<100x128xf32>
      %add3A_117 = arith.addf %add3A_112, %add3A_116 : vector<100x128xf32>
      %max3A = arith.constant 0.000000e+00 : f32
      %max3A_118 = vector.broadcast %max3A : f32 to vector<100x128xf32>
      %max3A_119 = arith.maximumf %add3A_117, %max3A_118 : vector<100x128xf32>
      %get3A_120 = arith.constant 0 : index
      %get3A_121 = arith.constant 0 : index
      %get3A_122 = vector.load %arg11[%get3A_120, %get3A_121] : memref<100x100xf32, #tpu.memory_space<vmem>>, vector<100x100xf32>
      %dot_general3A_123 = arith.constant dense<0.000000e+00> : vector<100x128xf32>
      %dot_general3A_124 = tpu.matmul %get3A_122, %max3A_119, %dot_general3A_123 {dimension_numbers = #tpu.dot_dimension_numbers<[1], [0], [0], [1], [0, 0, 1, 1], [], []>, transpose_lhs_hint = false} : vector<100x100xf32>, vector<100x128xf32>, vector<100x128xf32> -> vector<100x128xf32>
      %get3A_125 = arith.constant 0 : index
      %get3A_126 = arith.constant 0 : index
      %get3A_127 = vector.load %arg12[%get3A_125, %get3A_126] : memref<100x1xf32, #tpu.memory_space<vmem>>, vector<100x1xf32>
      %add3A_128 = vector.broadcast %get3A_127 : vector<100x1xf32> to vector<100x128xf32>
      %add3A_129 = arith.addf %dot_general3A_124, %add3A_128 : vector<100x128xf32>
      %get3A_130 = arith.constant 0 : index
      %get3A_131 = arith.constant 0 : index
      %get3A_132 = vector.load %arg13[%get3A_130, %get3A_131] : memref<64x100xf32, #tpu.memory_space<vmem>>, vector<64x100xf32>
      %dot_general3A_133 = arith.constant dense<0.000000e+00> : vector<64x128xf32>
      %dot_general3A_134 = tpu.matmul %get3A_132, %add3A_129, %dot_general3A_133 {dimension_numbers = #tpu.dot_dimension_numbers<[1], [0], [0], [1], [0, 0, 1, 1], [], []>, transpose_lhs_hint = false} : vector<64x100xf32>, vector<100x128xf32>, vector<64x128xf32> -> vector<64x128xf32>
      %get3A_135 = arith.constant 0 : index
      %get3A_136 = arith.constant 0 : index
      %get3A_137 = vector.load %arg16[%get3A_135, %get3A_136] : memref<64x64xf32, #tpu.memory_space<vmem>>, vector<64x64xf32>
      %dot_general3A_138 = arith.constant dense<0.000000e+00> : vector<64x128xf32>
      %dot_general3A_139 = tpu.matmul %get3A_137, %dot_general3A_87, %dot_general3A_138 {dimension_numbers = #tpu.dot_dimension_numbers<[1], [0], [0], [1], [0, 0, 1, 1], [], []>, transpose_lhs_hint = false} : vector<64x64xf32>, vector<64x128xf32>, vector<64x128xf32> -> vector<64x128xf32>
      %add3A_140 = arith.addf %dot_general3A_134, %dot_general3A_139 : vector<64x128xf32>
      %get3A_141 = arith.constant 0 : index
      %get3A_142 = arith.constant 0 : index
      %get3A_143 = vector.load %arg19[%get3A_141, %get3A_142] : memref<64x1xf32, #tpu.memory_space<vmem>>, vector<64x1xf32>
      %add3A_144 = vector.broadcast %get3A_143 : vector<64x1xf32> to vector<64x128xf32>
      %add3A_145 = arith.addf %add3A_140, %add3A_144 : vector<64x128xf32>
      %logistic3A = arith.negf %add3A_145 : vector<64x128xf32>
      %logistic3A_146 = math.exp %logistic3A : vector<64x128xf32>
      %logistic3A_147 = arith.constant 1.000000e+00 : f32
      %logistic3A_148 = vector.broadcast %logistic3A_147 : f32 to vector<64x128xf32>
      %logistic3A_149 = arith.addf %logistic3A_148, %logistic3A_146 : vector<64x128xf32>
      %logistic3A_150 = arith.divf %logistic3A_148, %logistic3A_149 : vector<64x128xf32>
      %get3A_151 = arith.constant 0 : index
      %get3A_152 = arith.constant 0 : index
      %get3A_153 = vector.load %arg14[%get3A_151, %get3A_152] : memref<64x100xf32, #tpu.memory_space<vmem>>, vector<64x100xf32>
      %dot_general3A_154 = arith.constant dense<0.000000e+00> : vector<64x128xf32>
      %dot_general3A_155 = tpu.matmul %get3A_153, %add3A_129, %dot_general3A_154 {dimension_numbers = #tpu.dot_dimension_numbers<[1], [0], [0], [1], [0, 0, 1, 1], [], []>, transpose_lhs_hint = false} : vector<64x100xf32>, vector<100x128xf32>, vector<64x128xf32> -> vector<64x128xf32>
      %get3A_156 = arith.constant 0 : index
      %get3A_157 = arith.constant 0 : index
      %get3A_158 = vector.load %arg17[%get3A_156, %get3A_157] : memref<64x64xf32, #tpu.memory_space<vmem>>, vector<64x64xf32>
      %dot_general3A_159 = arith.constant dense<0.000000e+00> : vector<64x128xf32>
      %dot_general3A_160 = tpu.matmul %get3A_158, %dot_general3A_87, %dot_general3A_159 {dimension_numbers = #tpu.dot_dimension_numbers<[1], [0], [0], [1], [0, 0, 1, 1], [], []>, transpose_lhs_hint = false} : vector<64x64xf32>, vector<64x128xf32>, vector<64x128xf32> -> vector<64x128xf32>
      %add3A_161 = arith.addf %dot_general3A_155, %dot_general3A_160 : vector<64x128xf32>
      %get3A_162 = arith.constant 0 : index
      %get3A_163 = arith.constant 0 : index
      %get3A_164 = vector.load %arg20[%get3A_162, %get3A_163] : memref<64x1xf32, #tpu.memory_space<vmem>>, vector<64x1xf32>
      %add3A_165 = vector.broadcast %get3A_164 : vector<64x1xf32> to vector<64x128xf32>
      %add3A_166 = arith.addf %add3A_161, %add3A_165 : vector<64x128xf32>
      %logistic3A_167 = arith.negf %add3A_166 : vector<64x128xf32>
      %logistic3A_168 = math.exp %logistic3A_167 : vector<64x128xf32>
      %logistic3A_169 = arith.constant 1.000000e+00 : f32
      %logistic3A_170 = vector.broadcast %logistic3A_169 : f32 to vector<64x128xf32>
      %logistic3A_171 = arith.addf %logistic3A_170, %logistic3A_168 : vector<64x128xf32>
      %logistic3A_172 = arith.divf %logistic3A_170, %logistic3A_171 : vector<64x128xf32>
      %get3A_173 = arith.constant 0 : index
      %get3A_174 = arith.constant 0 : index
      %get3A_175 = vector.load %arg18[%get3A_173, %get3A_174] : memref<64x64xf32, #tpu.memory_space<vmem>>, vector<64x64xf32>
      %dot_general3A_176 = arith.constant dense<0.000000e+00> : vector<64x128xf32>
      %dot_general3A_177 = tpu.matmul %get3A_175, %dot_general3A_87, %dot_general3A_176 {dimension_numbers = #tpu.dot_dimension_numbers<[1], [0], [0], [1], [0, 0, 1, 1], [], []>, transpose_lhs_hint = false} : vector<64x64xf32>, vector<64x128xf32>, vector<64x128xf32> -> vector<64x128xf32>
      %get3A_178 = arith.constant 0 : index
      %get3A_179 = arith.constant 0 : index
      %get3A_180 = vector.load %arg22[%get3A_178, %get3A_179] : memref<64x1xf32, #tpu.memory_space<vmem>>, vector<64x1xf32>
      %add3A_181 = vector.broadcast %get3A_180 : vector<64x1xf32> to vector<64x128xf32>
      %add3A_182 = arith.addf %dot_general3A_177, %add3A_181 : vector<64x128xf32>
      %get3A_183 = arith.constant 0 : index
      %get3A_184 = arith.constant 0 : index
      %get3A_185 = vector.load %arg15[%get3A_183, %get3A_184] : memref<64x100xf32, #tpu.memory_space<vmem>>, vector<64x100xf32>
      %dot_general3A_186 = arith.constant dense<0.000000e+00> : vector<64x128xf32>
      %dot_general3A_187 = tpu.matmul %get3A_185, %add3A_129, %dot_general3A_186 {dimension_numbers = #tpu.dot_dimension_numbers<[1], [0], [0], [1], [0, 0, 1, 1], [], []>, transpose_lhs_hint = false} : vector<64x100xf32>, vector<100x128xf32>, vector<64x128xf32> -> vector<64x128xf32>
      %get3A_188 = arith.constant 0 : index
      %get3A_189 = arith.constant 0 : index
      %get3A_190 = vector.load %arg21[%get3A_188, %get3A_189] : memref<64x1xf32, #tpu.memory_space<vmem>>, vector<64x1xf32>
      %add3A_191 = vector.broadcast %get3A_190 : vector<64x1xf32> to vector<64x128xf32>
      %add3A_192 = arith.addf %dot_general3A_187, %add3A_191 : vector<64x128xf32>
      %mul3A_193 = arith.mulf %logistic3A_150, %add3A_182 : vector<64x128xf32>
      %add3A_194 = arith.addf %add3A_192, %mul3A_193 : vector<64x128xf32>
      %tanh3A = math.tanh %add3A_194 : vector<64x128xf32>
      %sub3A_195 = arith.constant 1.000000e+00 : f32
      %sub3A_196 = vector.broadcast %sub3A_195 : f32 to vector<64x128xf32>
      %sub3A_197 = arith.subf %sub3A_196, %logistic3A_172 : vector<64x128xf32>
      %mul3A_198 = arith.mulf %sub3A_197, %tanh3A : vector<64x128xf32>
      %mul3A_199 = arith.mulf %logistic3A_172, %dot_general3A_87 : vector<64x128xf32>
      %add3A_200 = arith.addf %mul3A_198, %mul3A_199 : vector<64x128xf32>
      %iota3A_201 = tpu.iota {dimensions = array<i32: 1>} : vector<128x4096xi32>
      %le3A = vector.broadcast %sub3A_83 : vector<128x1xi32> to vector<128x4096xi32>
      %le3A_202 = arith.cmpi sle, %le3A, %iota3A_201 : vector<128x4096xi32>
      %convert_element_type3A_203 = arith.extui %le3A_202 : vector<128x4096xi1> to vector<128x4096xi32>
      %convert_element_type3A_204 = arith.sitofp %convert_element_type3A_203 : vector<128x4096xi32> to vector<128x4096xf32>
      %broadcast_in_dim3A_205 = arith.constant 1.000000e+00 : f32
      %broadcast_in_dim3A_206 = vector.broadcast %broadcast_in_dim3A_205 : f32 to vector<1x128xf32>
      %dot_general3A_207 = arith.constant dense<0.000000e+00> : vector<1x4096xf32>
      %dot_general3A_208 = tpu.matmul %broadcast_in_dim3A_206, %convert_element_type3A_204, %dot_general3A_207 {dimension_numbers = #tpu.dot_dimension_numbers<[1], [0], [0], [1], [0, 0, 1, 1], [], []>, transpose_lhs_hint = false} : vector<1x128xf32>, vector<128x4096xf32>, vector<1x4096xf32> -> vector<1x4096xf32>
      %convert_element_type3A_209 = arith.fptosi %dot_general3A_208 : vector<1x4096xf32> to vector<1x4096xi32>
      %sub3A_210 = arith.constant 1 : i32
      %sub3A_211 = vector.broadcast %sub3A_210 : i32 to vector<1x4096xi32>
      %sub3A_212 = arith.subi %convert_element_type3A_209, %sub3A_211 : vector<1x4096xi32>
      %lt3A_213 = arith.constant 0 : i32
      %lt3A_214 = vector.broadcast %lt3A_213 : i32 to vector<128x1xi32>
      %lt3A_215 = arith.cmpi slt, %sub3A_83, %lt3A_214 : vector<128x1xi32>
      %convert_element_type3A_216 = arith.extui %lt3A_215 : vector<128x1xi1> to vector<128x1xi32>
      %convert_element_type3A_217 = arith.sitofp %convert_element_type3A_216 : vector<128x1xi32> to vector<128x1xf32>
      %dot_general3A_218 = arith.constant dense<0.000000e+00> : vector<1x1xf32>
      %dot_general3A_219 = tpu.matmul %broadcast_in_dim3A_206, %convert_element_type3A_217, %dot_general3A_218 {dimension_numbers = #tpu.dot_dimension_numbers<[1], [0], [0], [1], [0, 0, 1, 1], [], []>, transpose_lhs_hint = false} : vector<1x128xf32>, vector<128x1xf32>, vector<1x1xf32> -> vector<1x1xf32>
      %slice3A = vector.extract_strided_slice %dot_general3A_208 {offsets = [0, 0], sizes = [1, 4095], strides = [1, 1]} : vector<1x4096xf32> to vector<1x4095xf32>
      %concatenate3A = tpu.concatenate %dot_general3A_219, %slice3A in 1 : vector<1x1xf32>, vector<1x4095xf32> -> vector<1x4096xf32>
      %gt3A = arith.cmpf ogt, %dot_general3A_208, %concatenate3A : vector<1x4096xf32>
      %iota3A_220 = tpu.iota {dimensions = array<i32: 0>} : vector<128x4096xi32>
      %eq3A_221 = vector.broadcast %sub3A_212 : vector<1x4096xi32> to vector<128x4096xi32>
      %eq3A_222 = arith.cmpi eq, %iota3A_220, %eq3A_221 : vector<128x4096xi32>
      %convert_element_type3A_223 = arith.extui %eq3A_222 : vector<128x4096xi1> to vector<128x4096xi32>
      %convert_element_type3A_224 = arith.sitofp %convert_element_type3A_223 : vector<128x4096xi32> to vector<128x4096xf32>
      %dot_general3A_225 = arith.constant dense<0.000000e+00> : vector<64x4096xf32>
      %dot_general3A_226 = tpu.matmul %add3A_200, %convert_element_type3A_224, %dot_general3A_225 {dimension_numbers = #tpu.dot_dimension_numbers<[1], [0], [0], [1], [0, 0, 1, 1], [], []>, transpose_lhs_hint = false} : vector<64x128xf32>, vector<128x4096xf32>, vector<64x4096xf32> -> vector<64x4096xf32>
      %broadcast_in_dim3A_227 = vector.shape_cast %gt3A : vector<1x4096xi1> to vector<1x4096xi1>
      %broadcast_in_dim3A_228 = vector.broadcast %broadcast_in_dim3A_227 : vector<1x4096xi1> to vector<64x4096xi1>
      %get3A_229 = arith.constant 0 : index
      %get3A_230 = arith.constant 0 : index
      %get3A_231 = vector.load %arg23[%get3A_229, %get3A_230] : memref<64x4096xf32, #tpu.memory_space<vmem>>, vector<64x4096xf32>
      %select_n3A_232 = arith.select %broadcast_in_dim3A_228, %dot_general3A_226, %get3A_231 : vector<64x4096xi1>, vector<64x4096xf32>
      %swap3A_233 = arith.constant 0 : index
      %swap3A_234 = arith.constant 0 : index
      %swap3A_235 = vector.load %arg23[%swap3A_233, %swap3A_234] : memref<64x4096xf32, #tpu.memory_space<vmem>>, vector<64x4096xf32>
      tpu.vector_store %arg23[%swap3A_233, %swap3A_234], %select_n3A_232 {strides = array<i32>} : memref<64x4096xf32, #tpu.memory_space<vmem>>, vector<64x4096xf32>,
    }
    return
  }
  func.func @transform_0(%arg0: i32) -> i32 {
    %c0_i32 = arith.constant 0 : i32
    %c0_i32_0 = arith.constant 0 : i32
    return %c0_i32 : i32
  }
  func.func @transform_1(%arg0: i32) -> (i32, i32) {
    %c0_i32 = arith.constant 0 : i32
    %c0_i32_0 = arith.constant 0 : i32
    return %c0_i32, %arg0 : i32, i32
  }
  func.func @transform_2(%arg0: i32) -> (i32, i32) {
    %c0_i32 = arith.constant 0 : i32
    %c0_i32_0 = arith.constant 0 : i32
    %c0_i32_1 = arith.constant 0 : i32
    return %c0_i32, %c0_i32_0 : i32, i32
  }
  func.func @transform_3(%arg0: i32) -> (i32, i32) {
    %c0_i32 = arith.constant 0 : i32
    %c0_i32_0 = arith.constant 0 : i32
    %c0_i32_1 = arith.constant 0 : i32
    return %c0_i32, %c0_i32_0 : i32, i32
  }
  func.func @transform_4(%arg0: i32) -> (i32, i32, i32) {
    %c0_i32 = arith.constant 0 : i32
    %c0_i32_0 = arith.constant 0 : i32
    %c0_i32_1 = arith.constant 0 : i32
    %c0_i32_2 = arith.constant 0 : i32
    return %c0_i32, %c0_i32_0, %c0_i32_1 : i32, i32, i32
  }
  func.func @transform_5(%arg0: i32) -> (i32, i32) {
    %c0_i32 = arith.constant 0 : i32
    %c0_i32_0 = arith.constant 0 : i32
    %c0_i32_1 = arith.constant 0 : i32
    return %c0_i32, %c0_i32_0 : i32, i32
  }
  func.func @transform_6(%arg0: i32) -> (i32, i32) {
    %c0_i32 = arith.constant 0 : i32
    %c0_i32_0 = arith.constant 0 : i32
    %c0_i32_1 = arith.constant 0 : i32
    return %c0_i32, %c0_i32_0 : i32, i32
  }
  func.func @transform_7(%arg0: i32) -> (i32, i32) {
    %c0_i32 = arith.constant 0 : i32
    %c0_i32_0 = arith.constant 0 : i32
    %c0_i32_1 = arith.constant 0 : i32
    return %c0_i32, %c0_i32_0 : i32, i32
  }
  func.func @transform_8(%arg0: i32) -> (i32, i32) {
    %c0_i32 = arith.constant 0 : i32
    %c0_i32_0 = arith.constant 0 : i32
    %c0_i32_1 = arith.constant 0 : i32
    return %c0_i32, %c0_i32_0 : i32, i32
  }
  func.func @transform_9(%arg0: i32) -> (i32, i32) {
    %c0_i32 = arith.constant 0 : i32
    %c0_i32_0 = arith.constant 0 : i32
    %c0_i32_1 = arith.constant 0 : i32
    return %c0_i32, %c0_i32_0 : i32, i32
  }
  func.func @transform_10(%arg0: i32) -> (i32, i32) {
    %c0_i32 = arith.constant 0 : i32
    %c0_i32_0 = arith.constant 0 : i32
    %c0_i32_1 = arith.constant 0 : i32
    return %c0_i32, %c0_i32_0 : i32, i32
  }
  func.func @transform_11(%arg0: i32) -> (i32, i32) {
    %c0_i32 = arith.constant 0 : i32
    %c0_i32_0 = arith.constant 0 : i32
    %c0_i32_1 = arith.constant 0 : i32
    return %c0_i32, %c0_i32_0 : i32, i32
  }
  func.func @transform_12(%arg0: i32) -> (i32, i32) {
    %c0_i32 = arith.constant 0 : i32
    %c0_i32_0 = arith.constant 0 : i32
    %c0_i32_1 = arith.constant 0 : i32
    return %c0_i32, %c0_i32_0 : i32, i32
  }
  func.func @transform_13(%arg0: i32) -> (i32, i32) {
    %c0_i32 = arith.constant 0 : i32
    %c0_i32_0 = arith.constant 0 : i32
    %c0_i32_1 = arith.constant 0 : i32
    return %c0_i32, %c0_i32_0 : i32, i32
  }
  func.func @transform_14(%arg0: i32) -> (i32, i32) {
    %c0_i32 = arith.constant 0 : i32
    %c0_i32_0 = arith.constant 0 : i32
    %c0_i32_1 = arith.constant 0 : i32
    return %c0_i32, %c0_i32_0 : i32, i32
  }
  func.func @transform_15(%arg0: i32) -> (i32, i32) {
    %c0_i32 = arith.constant 0 : i32
    %c0_i32_0 = arith.constant 0 : i32
    %c0_i32_1 = arith.constant 0 : i32
    return %c0_i32, %c0_i32_0 : i32, i32
  }
  func.func @transform_16(%arg0: i32) -> (i32, i32) {
    %c0_i32 = arith.constant 0 : i32
    %c0_i32_0 = arith.constant 0 : i32
    %c0_i32_1 = arith.constant 0 : i32
    return %c0_i32, %c0_i32_0 : i32, i32
  }
  func.func @transform_17(%arg0: i32) -> (i32, i32) {
    %c0_i32 = arith.constant 0 : i32
    %c0_i32_0 = arith.constant 0 : i32
    %c0_i32_1 = arith.constant 0 : i32
    return %c0_i32, %c0_i32_0 : i32, i32
  }
  func.func @transform_18(%arg0: i32) -> (i32, i32) {
    %c0_i32 = arith.constant 0 : i32
    %c0_i32_0 = arith.constant 0 : i32
    %c0_i32_1 = arith.constant 0 : i32
    return %c0_i32, %c0_i32_0 : i32, i32
  }
  func.func @transform_19(%arg0: i32) -> (i32, i32) {
    %c0_i32 = arith.constant 0 : i32
    %c0_i32_0 = arith.constant 0 : i32
    %c0_i32_1 = arith.constant 0 : i32
    return %c0_i32, %c0_i32_0 : i32, i32
  }
  func.func @transform_20(%arg0: i32) -> (i32, i32) {
    %c0_i32 = arith.constant 0 : i32
    %c0_i32_0 = arith.constant 0 : i32
    %c0_i32_1 = arith.constant 0 : i32
    return %c0_i32, %c0_i32_0 : i32, i32
  }
  func.func @transform_21(%arg0: i32) -> (i32, i32) {
    %c0_i32 = arith.constant 0 : i32
    %c0_i32_0 = arith.constant 0 : i32
    %c0_i32_1 = arith.constant 0 : i32
    return %c0_i32, %c0_i32_0 : i32, i32
  }
  func.func @transform_22(%arg0: i32) -> (i32, i32) {
    %c0_i32 = arith.constant 0 : i32
    %c0_i32_0 = arith.constant 0 : i32
    return %c0_i32, %arg0 : i32, i32
  }
}

</mosaic_0001>

<sc_bundles>
// kernel: gather_offload_async_start.1
scs
__scs_entry_jumppad:
0x0: {  	(pc) =	sbr.rel $0x88, $3  }
0x1: {  	(tag) =	ssettag $0x0;
	lr =	simm.s32 $0x1  }
0x2: {  	[smem:$0x3F94] =	sst lr;
	_ =	strace $0xD0000000  }
0x3: {  	_ = 	snop  }
0x4: {  	_ = 	snop  }
0x5: {  	_ = 	snop  }
0x6: {  	_ = 	snop  }
0x7: {  	_ = 	snop  }
__scs_overlays_trampoline_lowered:
0x8: {  	[smem:$0x3FA3] =	sst s0  }
0x9: {  	[smem:$0x3FA4] =	sst s1  }
0xa: {  	[smem:$0x3FA5] =	sst s2  }
0xb: {  	[smem:$0x3FA6] =	sst s3  }
0xc: {  	[smem:$0x3FA7] =	sst s4  }
0xd: {  	[smem:$0x3FA8] =	sst s5  }
0xe: {  	[smem:$0x3FA9] =	sst s6  }
0xf: {  	[smem:$0x3FAA] =	sst s7  }
0x10: {  	[smem:$0x3FAB] =	sst s8  }
0x11: {  	[smem:$0x3FAC] =	sst s9;
	s0 =	simm.s32 @!p0 $0x0  }
0x12: {  	s1 =	sld [smem:$0x3F92];
	s0 =	simm.s32 @p0 $0x1  }
0x13: {  	[smem:$0x3FAD] =	sst s0;
	s0 =	simm.s32 @!p1 $0x0  }
0x14: {  	s2 =	sld [smem:$0x3F91];
	s0 =	simm.s32 @p1 $0x1  }
0x15: {  	[smem:$0x3FAE] =	sst s0;
	s0 =	simm.s32 @!p2 $0x0  }
0x16: {  	s3 =	sld [smem:$0x3FDB];
	s0 =	simm.s32 @p2 $0x1  }
0x17: {  	s4 =	simm.s32 $0x1BF5;
	[smem:$0x3FB0] =	sst s0  }
0x18: {  	s0 =	sld [smem:$0x3F93];
	_ =	swait.ge [sflag:s4], $0x0  }
0x19: {  	s7 =	sld [smem:$0x3F94]  }
0x1a: {  	s8 =	sadd.s32 $0xFFFFE003, lr  }
0x1b: {  	s9 =	sadd.s32 $0xFFFFFEF7, lr;
	s5 =	simm.s32 $0xFFFFFFFF;
	p2 =	slt.u32 s8, $0xFFFFF086  }
0x1c: {  	p1 =	slt.u32 s9, $0xF7A;
	s5 =	simm.s32 @!p2 $0x0  }
0x1d: {  	s5 =	simm.s32 @p1 $0x1;
	p0 =	seq.s32 s7, s2  }
0x1e: {  	s7 =	smul.u32 @!p0 $0xF7A, s2;
	p2 =	seq.s32 @!p0 s5, $0x0  }
0x1f: {  	s9 =	smul.u32 $0xF7A, s1;
	s8 =	simm.s32 @!p0 $0x1BF5;
	p2 =	por !p2, p0  }
0x20: {  	[sflag:s8] =	ssyncset.s32 @!p0 $0xFFFFF086;
	s6 =	sadd.s32 @!p0 s3, s7;
	s7 =	simm.s32 @!p0 $0x108  }
0x21: {  	s3 =	sadd.s32 s3, s9;
	s6 =	sadd.s32 @!p0 $0x88, s6;
	s7 =	simm.s32 @p2 $0x1082  }
0x22: {  	[simem:s7], [sflag:s8] =	dma.local @!p0 [hbm:s6], $0xF7A  }
0x23: {  	s9 =	sor.u32 $0xD0000000, s2;
	s6 =	simm.s32 $0x108;
	_ =	swait.ge @!p0 [sflag:s8], $0x0  }
0x24: {  	s3 =	sadd.s32 $0x88, s3;
	s6 =	simm.s32 @!p1 $0x1082;
	[sflag:s4] =	ssyncset.s32 $0xFFFFF086  }
0x25: {  	[simem:s6], [sflag:s4] =	dma.local [hbm:s3], $0xF7A  }
0x26: {  	[smem:$0x3F94] =	sst s1;
	(tag) =	ssettag s2;
	_ =	strace s9  }
0x27: {  	s1 =	sld [smem:$0x3FA4]  }
0x28: {  	s2 =	sld [smem:$0x3FA5]  }
0x29: {  	s4 =	sld [smem:$0x3FA7]  }
0x2a: {  	p0 =	seq.s32 s5, $0x0;
	s5 =	sld [smem:$0x3FA8]  }
0x2b: {  	s6 =	sld [smem:$0x3FA9]  }
0x2c: {  	s7 =	sld [smem:$0x3FAA]  }
0x2d: {  	s3 =	simm.s32 $0x108;
	s8 =	sld [smem:$0x3FAB]  }
0x2e: {  	s3 =	simm.s32 @!p0 $0x1082;
	s9 =	sld [smem:$0x3FAC]  }
0x2f: {  	lr =	sadd.s32 s0, s3;
	s0 =	sld [smem:$0x3FA3]  }
0x30: {  	s3 =	sld [smem:$0x3FA6]  }
0x31: {  	[smem:$0x3FAF] =	sst s10  }
0x32: {  	s10 =	sld [smem:$0x3FAD];
	_ =	sdelay $0x3  }
0x33: {  	p0 =	seq.s32 s10, $0x1;
	s10 =	sld [smem:$0x3FAF];
	_ =	sdelay $0x3  }
0x34: {  	[smem:$0x3FAF] =	sst s10  }
0x35: {  	s10 =	sld [smem:$0x3FAE];
	_ =	sdelay $0x3  }
0x36: {  	p1 =	seq.s32 s10, $0x1;
	s10 =	sld [smem:$0x3FAF];
	_ =	sdelay $0x3  }
0x37: {  	[smem:$0x3FAF] =	sst s10  }
0x38: {  	s10 =	sld [smem:$0x3FB0]  }
0x39: {  	_ = 	snop;
	(pc) =	sbr.ind lr, $3  }
0x3a: {  	_ = 	snop  }
0x3b: {  	_ = 	snop  }
0x3c: {  	p2 =	seq.s32 s10, $0x1;
	s10 =	sld [smem:$0x3FAF]  }
0x3d: {  	_ =	shalt  }
0x3e: {  	_ =	shalt  }
0x3f: {  	_ =	shalt  }
0x40: {  	_ =	shalt  }
0x41: {  	_ =	shalt  }
0x42: {  	_ =	shalt  }
0x43: {  	_ =	shalt  }
0x44: {  	_ =	shalt  }
0x45: {  	_ =	shalt  }
0x46: {  	_ =	shalt  }
0x47: {  	_ =	shalt  }
0x48: {  	_ =	shalt  }
0x49: {  	_ =	shalt  }
0x4a: {  	_ =	shalt  }
0x4b: {  	_ =	shalt  }
0x4c: {  	_ =	shalt  }
0x4d: {  	_ =	shalt  }
0x4e: {  	_ =	shalt  }
0x4f: {  	_ =	shalt  }
0x50: {  	_ =	shalt  }
0x51: {  	_ =	shalt  }
0x52: {  	_ =	shalt  }
0x53: {  	_ =	shalt  }
0x54: {  	_ =	shalt  }
0x55: {  	_ =	shalt  }
0x56: {  	_ =	shalt  }
0x57: {  	_ =	shalt  }
0x58: {  	_ =	shalt  }
0x59: {  	_ =	shalt  }
0x5a: {  	_ =	shalt  }
0x5b: {  	_ =	shalt  }
0x5c: {  	_ =	shalt  }
0x5d: {  	_ =	shalt  }
0x5e: {  	_ =	shalt  }
0x5f: {  	_ =	shalt  }
0x60: {  	_ =	shalt  }
0x61: {  	_ =	shalt  }
0x62: {  	_ =	shalt  }
0x63: {  	_ =	shalt  }
0x64: {  	_ =	shalt  }
0x65: {  	_ =	shalt  }
0x66: {  	_ =	shalt  }
0x67: {  	_ =	shalt  }
0x68: {  	_ =	shalt  }
0x69: {  	_ =	shalt  }
0x6a: {  	_ =	shalt  }
0x6b: {  	_ =	shalt  }
0x6c: {  	_ =	shalt  }
0x6d: {  	_ =	shalt  }
0x6e: {  	_ =	shalt  }
0x6f: {  	_ =	shalt  }
0x70: {  	_ =	shalt  }
0x71: {  	_ =	shalt  }
0x72: {  	_ =	shalt  }
0x73: {  	_ =	shalt  }
0x74: {  	_ =	shalt  }
0x75: {  	_ =	shalt  }
0x76: {  	_ =	shalt  }
0x77: {  	_ =	shalt  }
0x78: {  	_ =	shalt  }
0x79: {  	_ =	shalt  }
0x7a: {  	_ =	shalt  }
0x7b: {  	_ =	shalt  }
0x7c: {  	_ =	shalt  }
0x7d: {  	_ =	shalt  }
0x7e: {  	_ =	shalt  }
0x7f: {  	_ =	shalt  }
0x80: {  	_ =	shalt  }
0x81: {  	_ =	shalt  }
0x82: {  	_ =	shalt  }
0x83: {  	_ =	shalt  }
0x84: {  	_ =	shalt  }
0x85: {  	_ =	shalt  }
0x86: {  	_ =	shalt  }
0x87: {  	_ =	shalt  }
.Lfunc_end0:
.L_simem_size_0:
called_computation.1_lowered:
.L_overlay_start_0:
0x88: {  	s2 =	sld [smem:$0x3FD9]  }
0x89: {  	s3 =	sld [smem:$0x3FFE];
	_ =	sdelay $0x1  }
0x8a: {  	s1 =	srdreg.scid  }
0x8b: {  	s0 =	sand.u32 $0x1, s1  }
0x8c: {  	s17 =	sshll.u32 s0, $0xA;
	s2 =	sadd.s32 s3, s2  }
0x8d: {  	s2 =	sadd.s32 s2, s17  }
0x8e: {  	[smem:$0x3FBB] =	sst s2  }
0x8f: {  	_ = 	snop  }
0x90: {  	s2 =	sld [smem:$0x3FD0];
	(tm) =	ssettm $0x1  }
0x91: {  	s18 =	sld [smem:$0x3FFB];
	_ =	sdelay $0x3  }
0x92: {  	_ =	strace s18  }
0x93: {  	s3 =	sld [smem:$0x3FFC];
	_ =	sdelay $0x3  }
0x94: {  	_ =	strace s3  }
0x95: {  	s3 =	sld [smem:$0x3FFD];
	_ =	sdelay $0x3  }
0x96: {  	_ =	strace s3  }
0x97: {  	_ =	strace $0x8FFFFFFF  }
0x98: {  	s19 =	sld [smem:$0x3FDB];
	_ =	sdelay $0x1  }
0x99: {  	s4 =	simm.s32 $_scs_section_size  }
0x9a: {  	s5 =	simm.s32 $_size__tile_overlayer_lowered;
	s6 =	simm.s32 $_tile_overlayer_lowered  }
0x9b: {  	s22 =	simm.s32 $0x1BFF;
	s21 =	sshll.u32 s6, $0x1;
	s3 =	sadd.s32 s4, s19  }
0x9c: {  	s7 =	simm.s32 $0x0;
	s20 =	sshll.u32 s5, $0x1;
	s5 =	sadd.s32 s21, s3  }
0x9d: {  	[timem:s7], [sflag:s22] =	dma.local [hbm:s5], s20  }
0x9e: {  	_ =	swait.ge [sflag:s22], s20  }
0x9f: {  	s4 =	ssub.s32 $0x0, s20;
	[sflag:s22] =	ssyncset.done $0x0  }
0xa0: {  	[sflag:s22] =	ssyncadd.s32 s4;
	_ =	sdelay $0x1  }
0xa1: {  	s23 =	simm.s32 $0x1B8B  }
0xa2: {  	_ =	swait.ge [sflag:s23], $0x1  }
0xa3: {  	[sflag:s23] =	ssyncset.done $0x0  }
0xa4: {  	s25 =	simm.s32 $0x1B8E;
	s24 =	sld [smem:$0x3FFE];
	[sflag:s23] =	ssyncadd.s32 $0xFFFFFFFF  }
0xa5: {  	s26 =	simm.s32 $execute0_lowered;
	[smem:$0x3FD2] =	sst s25  }
0xa6: {  	s5 =	sshll.u32 s26, $0x1;
	_ =	strace $0x8000004C;
	[dreg:$0x1] =	wrdreg $0xFFFFFFFF  }
0xa7: {  	s28 =	simm.s32 $_size_execute0_lowered;
	s3 =	sadd.s32 s3, s5;
	[dreg:$0x0] =	wrdreg $0x0  }
0xa8: {  	s5 =	sshll.u32 s28, $0x1;
	[dreg:$0x2] =	wrdreg s3  }
0xa9: {  	[dreg:$0x3] =	wrdreg s5  }
0xaa: {  	[dreg:$0x4] =	wrdreg $0xC0  }
0xab: {  	_ =	task [dreg:s7], $0x5FFFF  }
0xac: {  	[dreg:$0x1] =	wrdreg $0xFFFFFFFF  }
0xad: {  	[dreg:$0x0] =	wrdreg $0x60  }
0xae: {  	[dreg:$0x2] =	wrdreg s2  }
0xaf: {  	[dreg:$0x3] =	wrdreg s24  }
0xb0: {  	[dreg:$0x4] =	wrdreg $0x9  }
0xb1: {  	_ =	task.clear_ibuf [dreg:s7], $0x5FFFF;
	_ =	strace $0x9000004C  }
0xb2: {  	s29 =	simm.s32 $0x9;
	_ =	strace $0x8000004E  }
0xb3: {  	_ =	swait.ge [sflag:s29], $0x1  }
0xb4: {  	[sflag:s29] =	ssyncadd.s32 $0xFFFFFFFF  }
0xb5: {  	_ =	strace $0x9000004E  }
0xb6: {  	_ =	sfence  }
0xb7: {  	s30 =	sld [smem:$0x0];
	_ =	sdelay $0x2  }
0xb8: {  	s31 =	sshll.u32 s1, $0xD;
	s1 =	sshrl.u32 s1, $0x2  }
0xb9: {  	s3 =	sand.u32 $0x4000, s31;
	s1 =	sadd.s32 s1, s30  }
0xba: {  	s0 =	sor.u32 s3, s0;
	s1 =	sshll.u32 s1, $0x11  }
0xbb: {  	s0 =	sor.u32 s1, s0  }
0xbc: {  	s0 =	sadd.s32 $0x8F2B, s0  }
0xbd: {  	[sflag:s0] =	ssyncadd.remote.s32 $0x1  }
0xbe: {  	_ =	sfence.sel $0xFFFF  }
0xbf: {  	[dreg:$0x0] =	wrdreg $0xFFFFFFFF;
	(pc) =	sbr.abs _section_cstart, $3  }
0xc0: {  	[dreg:$0x1] =	wrdreg $0xFFFFFFFF  }
0xc1: {  	_ =	task.clear_ibuf [dreg:s7], $0x2FFFF;
	_ =	strace $0x9FFFFFFF  }
0xc2: {  	(tm) =	ssettm $0x7FFFFFFF  }
0xc3: {  	_ =	shalt  }
tec
execute0_lowered:
.L_overlay_start_1:
0x0: {  	(tag) =	ssettag $0x1  }
0x1: {  	s1 =	srdreg.scid;
	s2 =	rddreg [dreg:$0x0]  }
0x2: {  	s0 =	stileid.u32;
	s5 =	rddreg [dreg:$0x1];
	s6 =	simm.s32 $0x1  }
0x3: {  	s9 =	simm.s32 $0x1;
	s10 =	simm.s32 $0x3;
	s1 =	sshll.u32 s1, $0x8  }
0x4: {  	s13 =	simm.s32 $0x0;
	s3 =	sshll.u32 s0, $0x9;
	s4 =	sand.u32 $0x100, s1  }
0x5: {  	s12 =	simm.s32 $0x0;
	s1 =	rddreg [dreg:$0x2];
	s3 =	sor.u32 s3, s4  }
0x6: {  	_ =	strace $0x8000004D;
	s4 =	sadd.s32 $0x2A00, s5;
	s8 =	ssub.s32 $0x4000, s3  }
.Ltmp0:
0x7: {  	s5 =	sadd.s32 $0x1A00, s5;
	s7 =	sand.u32 $0x1F00, s8;
	(pc) =	sbr.rel .LBB2_1-.Ltmp0, $4  }
0x8: {  	[sflag:s6] =	ssyncpa.u1 $0x0;
	s11 =	smov.u32 s3;
	p0 =	sne.s32 s7, $0x0  }
0x9: {  	s8 =	sshrl.u32 s8, $0xD;
	s7 =	simm.s32 $0x2;
	s9 =	simm.s32 @!p0 $0x0  }
0xa: {  	[sflag:s7] =	ssyncpa.u1 $0x0;
	p0 =	por $0x0, $0x0;
	s8 =	sadd.s32 s9, s8  }
0xb: {  	vm0 =	vmmov $0xffff;
	[sflag:s10] =	ssyncpa.u1 $0x0;
	s10 =	simm.s32 $0x0;
	s9 =	sadd.s32 $0x1, s8  }
.LBB2_4:
0xc: {  	v2 =	vnsel vm1, $0x0, v2  }
0xd: {  	vm1 =	vgt.s32 v0, $0x0;
	v2 =	vmin.u32 v2, $0x3FFF  }
0xe: {  	v0 =	vnsel vm1, $0x0, v0  }
0xf: {  	v0 =	vmin.u32 v0, $0x3FFF  }
0x10: {  	[tilespmem:s15], [sflag:$0x1] =	stream.indirect_vreg.gather [hbm4b:s2+s10], $0x1, v1, vm0, $0x4038;
	[tilespmem:$0x400] =	vst v63  }
0x11: {  	(ifvalue) =	ssetifvalue $0x7FFFFFFF  }
0x12: {  	[tilespmem:s16], [sflag:$0x1] =	stream.indirect_vreg.gather [hbm4b:s2+s10], $0x1, v2, vm0, $0x4038;
	[tilespmem:$0x400] =	vst v63  }
0x13: {  	s29 =	sadd.s32 $0x10, s16;
	(ifvalue) =	ssetifvalue $0x7FFFFFFF  }
0x14: {  	[tilespmem:s29], [sflag:$0x1] =	stream.indirect_vreg.gather [hbm4b:s2+s10], $0x1, v0, vm0, $0x4038;
	[tilespmem:$0x400] =	vst v63  }
0x15: {  	_ =	swait.ge [sflag:s6], $0x100  }
0x16: {  	s30 =	sshrl.u32 s13, $0x3;
	[sflag:s6] =	ssyncset.done $0x0  }
0x17: {  	s31 =	sand.u32 $0x7, s13;
	s15 =	sadd.s32 s5, s30;
	[sflag:s6] =	ssyncadd.s32 $0xFFFFFF00  }
0x18: {  	[hbm4b:s15+s31] =	stream.linear.scatter [tilespmem:s14], [sflag:$0x3], $0x100, $0x38;
	[tilespmem:$0x400] =	vst v63  }
.LBB2_5:
0x19: {  	s15 =	sadd.s32 $0x2000, s11  }
0x1a: {  	p2 =	sgt.s32 s15, $0x3FFF  }
0x1b: {  	s15 =	smov.u32 @p2 s3;
	p2 =	sne.s32 s12, s9  }
.Ltmp1:
0x1c: {  	p1 =	slt.u32 s12, $0x2;
	(pc) =	sbr.rel @!p2 .LBB2_6-.Ltmp1, $4  }
0x1d: {  	s14 =	simm.s32 @!p1 $0x3  }
0x1e: {  	s16 =	sadd.s32 $0x1, s12;
	_ =	swait.ge @!p1 [sflag:s14], $0x100  }
0x1f: {  	s13 =	smov.u32 s11;
	p0 =	por !p0, !p0;
	[sflag:s14] =	ssyncset.done @!p1 $0x0  }
0x20: {  	s12 =	smov.u32 s16;
	s11 =	smov.u32 s15;
	[sflag:s14] =	ssyncadd.s32 @!p1 $0xFFFFFF00  }
.LBB2_1:
0x21: {  	p1 =	sge.u32 s12, s8  }
0x22: {  	s14 =	sxor.u32 @!p1 $0xFFFFFFFF, s12  }
0x23: {  	s31 =	sadd.s32 $0xFFFFFFFF, s12;
	s15 =	sshrl.u32 @!p1 s11, $0x3;
	s14 =	sshll.u32 @!p1 s14, $0x8  }
0x24: {  	s16 =	sand.u32 @!p1 $0x7, s11;
	s15 =	sadd.s32 @!p1 s4, s15;
	s14 =	sand.u32 @!p1 $0x100, s14  }
0x25: {  	[tilespmem:s14], [sflag:$0x2] =	stream.linear.gather @!p1 [hbm4b:s15+s16], $0x100, $0x38;
	[tilespmem:$0x400] =	vst v63  }
0x26: {  	p1 =	sge.u32 s31, s8  }
.Ltmp2:
0x27: {  	_ = 	snop;
	(pc) =	sbr.rel @p1 .LBB2_5-.Ltmp2, $1  }
0x28: {  	_ =	sdelay $0x3  }
0x29: {  	s14 =	simm.s32 $0x1  }
0x2a: {  	_ =	swait.ge [sflag:s7], $0x100;
	s14 =	simm.s32 @!p0 $0x0  }
0x2b: {  	[sflag:s7] =	ssyncset.done $0x0;
	s14 =	sshll.u32 s14, $0x8  }
0x2c: {  	[sflag:s7] =	ssyncadd.s32 $0xFFFFFF00;
	(ifvalue) =	ssetifvalue $0x7FFFFFFF;
	v0 =	vld.msk [tilespmem:s14+$0x0 ss:$0x1], $0xffff;
	_ =	sdelay $0x4  }
0x2d: {  	s15 =	sadd.s32 $0x10, s14;
	vm1 =	vgt.s32 v0, $0x0  }
0x2e: {  	v2 =	vld.msk [tilespmem:s15+$0x0 ss:$0x1], $0xffff;
	v1 =	vnsel vm1, $0x0, v0  }
0x2f: {  	v1 =	vmin.u32 v1, $0x3FFF;
	_ =	sdelay $0x1  }
0x30: {  	s16 =	sshll.u32 s12, $0x8;
	s18 =	simm.s32 $0x20  }
0x31: {  	s16 =	sand.u32 $0x100, s16;
	s17 =	sadd.s32 $0x10, s15;
	s15 =	sor.u32 $0x200, s14  }
0x32: {  	s14 =	sor.u32 $0x200, s16;
	s16 =	sadd.s32 $0x10, s15;
	v0 =	vld.msk [tilespmem:s17+$0x0 ss:$0x1], $0xffff;
	vm1 =	vgt.s32 v2, $0x0;
	(ifvalue) =	ssetifvalue $0x7FFFFFFF  }
.LBB2_3:
0x33: {  	[tilespmem:s15], [sflag:$0x1] =	stream.indirect_vreg.gather [hbm4b:s2+s10], $0x1, v1, vm0, $0x4038;
	[tilespmem:$0x400] =	vst v63  }
0x34: {  	s18 =	sadd.s32 $0x10, s18  }
0x35: {  	v2 =	vnsel vm1, $0x0, v2;
	p1 =	slt.u32 s18, $0xF0  }
.Ltmp3:
0x36: {  	s15 =	smov.u32 s16;
	v1 =	vmin.u32 v2, $0x3FFF;
	(pc) =	sbr.rel @p1 .LBB2_3-.Ltmp3, $3  }
0x37: {  	_ =	sdelay $0x1  }
0x38: {  	s17 =	sadd.s32 $0x10, s17  }
0x39: {  	vm1 =	vgt.s32 v0, $0x0;
	s16 =	sadd.s32 $0x10, s16;
	v2 =	vmov v0;
	(ifvalue) =	ssetifvalue $0x7FFFFFFF;
	v0 =	vld.msk [tilespmem:s17+$0x0 ss:$0x1], $0xffff  }
.Ltmp4:
0x3a: {  	_ = 	snop;
	(pc) =	sbr.rel .LBB2_4-.Ltmp4, $1  }
0x3b: {  	_ =	sdelay $0x3  }
.LBB2_6:
0x3c: {  	_ =	sfence.sel $0x180000  }
0x3d: {  	s2 =	simm.s32 $0x2;
	[bflag:$0x0] =	sbarrier.arrive $0xFFFF  }
0x3e: {  	s30 =	simm.s32 $0x3;
	[sflag:s2] =	ssyncpa.u1 $0x1  }
0x3f: {  	s31 =	simm.s32 $0x1;
	[sflag:s30] =	ssyncpa.u1 $0x1  }
0x40: {  	[sflag:s31] =	ssyncpa.u1 $0x1  }
0x41: {  	p0 =	sne.s32 s0, $0x0;
	_ =	strace $0x9000004D  }
0x42: {  	s0 =	sadd.s32 @!p0 $0x100000, s1;
	[bflag:$0x2] =	sbarrier.arrive $0xFFFF  }
0x43: {  	[sflag:s0] =	ssyncadd.tile.s32 @!p0 $0x1;
	_ =	shalt  }
.Lfunc_end2:
_tile_overlayer_lowered:
.L_overlay_start_2:
0x44: {  	(tag) =	ssettag $0x2  }
0x45: {  	s0 =	rddreg [dreg:$0x0];
	s2 =	stileid.u32  }
0x46: {  	s1 =	rddreg [dreg:$0x1];
	p0 =	sne.s32 s2, $0x0  }
0x47: {  	s3 =	rddreg [dreg:$0x2];
	[bflag:$0x3] =	sbarrier.arrive $0xFFFF;
	s2 =	simm.s32 @!p0 $0x1C01  }
0x48: {  	[timem:s3], [sflag:s2] =	dma.local @!p0 [hbm:s0], s1  }
0x49: {  	s0 =	simm.s32 @!p0 $0x1  }
0x4a: {  	_ =	swait.ge @!p0 [sflag:s0], s1  }
0x4b: {  	s1 =	ssub.s32 @!p0 $0x0, s1;
	[sflag:s0] =	ssyncset.done @!p0 $0x0  }
0x4c: {  	[sflag:s0] =	ssyncadd.s32 @!p0 s1  }
0x4d: {  	[bflag:$0x3] =	sbarrier.arrive $0xFFFF  }
0x4e: {  	_ =	shalt  }

// kernel: gather_offload_async_start
scs
__scs_entry_jumppad:
0x0: {  	(pc) =	sbr.rel $0x88, $3  }
0x1: {  	(tag) =	ssettag $0x0;
	lr =	simm.s32 $0x1  }
0x2: {  	[smem:$0x3F94] =	sst lr;
	_ =	strace $0xD0000000  }
0x3: {  	_ = 	snop  }
0x4: {  	_ = 	snop  }
0x5: {  	_ = 	snop  }
0x6: {  	_ = 	snop  }
0x7: {  	_ = 	snop  }
__scs_overlays_trampoline_lowered:
0x8: {  	[smem:$0x3FA3] =	sst s0  }
0x9: {  	[smem:$0x3FA4] =	sst s1  }
0xa: {  	[smem:$0x3FA5] =	sst s2  }
0xb: {  	[smem:$0x3FA6] =	sst s3  }
0xc: {  	[smem:$0x3FA7] =	sst s4  }
0xd: {  	[smem:$0x3FA8] =	sst s5  }
0xe: {  	[smem:$0x3FA9] =	sst s6  }
0xf: {  	[smem:$0x3FAA] =	sst s7  }
0x10: {  	[smem:$0x3FAB] =	sst s8  }
0x11: {  	[smem:$0x3FAC] =	sst s9;
	s0 =	simm.s32 @!p0 $0x0  }
0x12: {  	s1 =	sld [smem:$0x3F92];
	s0 =	simm.s32 @p0 $0x1  }
0x13: {  	[smem:$0x3FAD] =	sst s0;
	s0 =	simm.s32 @!p1 $0x0  }
0x14: {  	s2 =	sld [smem:$0x3F91];
	s0 =	simm.s32 @p1 $0x1  }
0x15: {  	[smem:$0x3FAE] =	sst s0;
	s0 =	simm.s32 @!p2 $0x0  }
0x16: {  	s3 =	sld [smem:$0x3FDB];
	s0 =	simm.s32 @p2 $0x1  }
0x17: {  	s4 =	simm.s32 $0x1BF5;
	[smem:$0x3FB0] =	sst s0  }
0x18: {  	s0 =	sld [smem:$0x3F93];
	_ =	swait.ge [sflag:s4], $0x0  }
0x19: {  	s7 =	sld [smem:$0x3F94]  }
0x1a: {  	s8 =	sadd.s32 $0xFFFFE003, lr  }
0x1b: {  	s9 =	sadd.s32 $0xFFFFFEF7, lr;
	s5 =	simm.s32 $0xFFFFFFFF;
	p2 =	slt.u32 s8, $0xFFFFF086  }
0x1c: {  	p1 =	slt.u32 s9, $0xF7A;
	s5 =	simm.s32 @!p2 $0x0  }
0x1d: {  	s5 =	simm.s32 @p1 $0x1;
	p0 =	seq.s32 s7, s2  }
0x1e: {  	s7 =	smul.u32 @!p0 $0xF7A, s2;
	p2 =	seq.s32 @!p0 s5, $0x0  }
0x1f: {  	s9 =	smul.u32 $0xF7A, s1;
	s8 =	simm.s32 @!p0 $0x1BF5;
	p2 =	por !p2, p0  }
0x20: {  	[sflag:s8] =	ssyncset.s32 @!p0 $0xFFFFF086;
	s6 =	sadd.s32 @!p0 s3, s7;
	s7 =	simm.s32 @!p0 $0x108  }
0x21: {  	s3 =	sadd.s32 s3, s9;
	s6 =	sadd.s32 @!p0 $0x88, s6;
	s7 =	simm.s32 @p2 $0x1082  }
0x22: {  	[simem:s7], [sflag:s8] =	dma.local @!p0 [hbm:s6], $0xF7A  }
0x23: {  	s9 =	sor.u32 $0xD0000000, s2;
	s6 =	simm.s32 $0x108;
	_ =	swait.ge @!p0 [sflag:s8], $0x0  }
0x24: {  	s3 =	sadd.s32 $0x88, s3;
	s6 =	simm.s32 @!p1 $0x1082;
	[sflag:s4] =	ssyncset.s32 $0xFFFFF086  }
0x25: {  	[simem:s6], [sflag:s4] =	dma.local [hbm:s3], $0xF7A  }
0x26: {  	[smem:$0x3F94] =	sst s1;
	(tag) =	ssettag s2;
	_ =	strace s9  }
0x27: {  	s1 =	sld [smem:$0x3FA4]  }
0x28: {  	s2 =	sld [smem:$0x3FA5]  }
0x29: {  	s4 =	sld [smem:$0x3FA7]  }
0x2a: {  	p0 =	seq.s32 s5, $0x0;
	s5 =	sld [smem:$0x3FA8]  }
0x2b: {  	s6 =	sld [smem:$0x3FA9]  }
0x2c: {  	s7 =	sld [smem:$0x3FAA]  }
0x2d: {  	s3 =	simm.s32 $0x108;
	s8 =	sld [smem:$0x3FAB]  }
0x2e: {  	s3 =	simm.s32 @!p0 $0x1082;
	s9 =	sld [smem:$0x3FAC]  }
0x2f: {  	lr =	sadd.s32 s0, s3;
	s0 =	sld [smem:$0x3FA3]  }
0x30: {  	s3 =	sld [smem:$0x3FA6]  }
0x31: {  	[smem:$0x3FAF] =	sst s10  }
0x32: {  	s10 =	sld [smem:$0x3FAD];
	_ =	sdelay $0x3  }
0x33: {  	p0 =	seq.s32 s10, $0x1;
	s10 =	sld [smem:$0x3FAF];
	_ =	sdelay $0x3  }
0x34: {  	[smem:$0x3FAF] =	sst s10  }
0x35: {  	s10 =	sld [smem:$0x3FAE];
	_ =	sdelay $0x3  }
0x36: {  	p1 =	seq.s32 s10, $0x1;
	s10 =	sld [smem:$0x3FAF];
	_ =	sdelay $0x3  }
0x37: {  	[smem:$0x3FAF] =	sst s10  }
0x38: {  	s10 =	sld [smem:$0x3FB0]  }
0x39: {  	_ = 	snop;
	(pc) =	sbr.ind lr, $3  }
0x3a: {  	_ = 	snop  }
0x3b: {  	_ = 	snop  }
0x3c: {  	p2 =	seq.s32 s10, $0x1;
	s10 =	sld [smem:$0x3FAF]  }
0x3d: {  	_ =	shalt  }
0x3e: {  	_ =	shalt  }
0x3f: {  	_ =	shalt  }
0x40: {  	_ =	shalt  }
0x41: {  	_ =	shalt  }
0x42: {  	_ =	shalt  }
0x43: {  	_ =	shalt  }
0x44: {  	_ =	shalt  }
0x45: {  	_ =	shalt  }
0x46: {  	_ =	shalt  }
0x47: {  	_ =	shalt  }
0x48: {  	_ =	shalt  }
0x49: {  	_ =	shalt  }
0x4a: {  	_ =	shalt  }
0x4b: {  	_ =	shalt  }
0x4c: {  	_ =	shalt  }
0x4d: {  	_ =	shalt  }
0x4e: {  	_ =	shalt  }
0x4f: {  	_ =	shalt  }
0x50: {  	_ =	shalt  }
0x51: {  	_ =	shalt  }
0x52: {  	_ =	shalt  }
0x53: {  	_ =	shalt  }
0x54: {  	_ =	shalt  }
0x55: {  	_ =	shalt  }
0x56: {  	_ =	shalt  }
0x57: {  	_ =	shalt  }
0x58: {  	_ =	shalt  }
0x59: {  	_ =	shalt  }
0x5a: {  	_ =	shalt  }
0x5b: {  	_ =	shalt  }
0x5c: {  	_ =	shalt  }
0x5d: {  	_ =	shalt  }
0x5e: {  	_ =	shalt  }
0x5f: {  	_ =	shalt  }
0x60: {  	_ =	shalt  }
0x61: {  	_ =	shalt  }
0x62: {  	_ =	shalt  }
0x63: {  	_ =	shalt  }
0x64: {  	_ =	shalt  }
0x65: {  	_ =	shalt  }
0x66: {  	_ =	shalt  }
0x67: {  	_ =	shalt  }
0x68: {  	_ =	shalt  }
0x69: {  	_ =	shalt  }
0x6a: {  	_ =	shalt  }
0x6b: {  	_ =	shalt  }
0x6c: {  	_ =	shalt  }
0x6d: {  	_ =	shalt  }
0x6e: {  	_ =	shalt  }
0x6f: {  	_ =	shalt  }
0x70: {  	_ =	shalt  }
0x71: {  	_ =	shalt  }
0x72: {  	_ =	shalt  }
0x73: {  	_ =	shalt  }
0x74: {  	_ =	shalt  }
0x75: {  	_ =	shalt  }
0x76: {  	_ =	shalt  }
0x77: {  	_ =	shalt  }
0x78: {  	_ =	shalt  }
0x79: {  	_ =	shalt  }
0x7a: {  	_ =	shalt  }
0x7b: {  	_ =	shalt  }
0x7c: {  	_ =	shalt  }
0x7d: {  	_ =	shalt  }
0x7e: {  	_ =	shalt  }
0x7f: {  	_ =	shalt  }
0x80: {  	_ =	shalt  }
0x81: {  	_ =	shalt  }
0x82: {  	_ =	shalt  }
0x83: {  	_ =	shalt  }
0x84: {  	_ =	shalt  }
0x85: {  	_ =	shalt  }
0x86: {  	_ =	shalt  }
0x87: {  	_ =	shalt  }
.Lfunc_end0:
.L_simem_size_0:
called_computation_lowered:
.L_overlay_start_0:
0x88: {  	s2 =	sld [smem:$0x3FD9]  }
0x89: {  	s3 =	sld [smem:$0x3FFE];
	_ =	sdelay $0x1  }
0x8a: {  	s1 =	srdreg.scid  }
0x8b: {  	s0 =	sand.u32 $0x1, s1  }
0x8c: {  	s16 =	sshll.u32 s0, $0xA;
	s2 =	sadd.s32 s3, s2  }
0x8d: {  	s2 =	sadd.s32 s2, s16  }
0x8e: {  	[smem:$0x3FBB] =	sst s2  }
0x8f: {  	_ = 	snop  }
0x90: {  	(tm) =	ssettm $0x1  }
0x91: {  	s17 =	sld [smem:$0x3FFB];
	_ =	sdelay $0x3  }
0x92: {  	_ =	strace s17  }
0x93: {  	s2 =	sld [smem:$0x3FFC];
	_ =	sdelay $0x3  }
0x94: {  	_ =	strace s2  }
0x95: {  	s2 =	sld [smem:$0x3FFD];
	_ =	sdelay $0x3  }
0x96: {  	_ =	strace s2  }
0x97: {  	_ =	strace $0x8FFFFFFF  }
0x98: {  	s18 =	sld [smem:$0x3FDB];
	_ =	sdelay $0x1  }
0x99: {  	s19 =	simm.s32 $_scs_section_size  }
0x9a: {  	s4 =	simm.s32 $_size__tile_overlayer_lowered;
	s5 =	simm.s32 $_tile_overlayer_lowered  }
0x9b: {  	s22 =	simm.s32 $0x1BFF;
	s21 =	sshll.u32 s5, $0x1;
	s2 =	sadd.s32 s19, s18  }
0x9c: {  	s6 =	simm.s32 $0x0;
	s20 =	sshll.u32 s4, $0x1;
	s4 =	sadd.s32 s21, s2  }
0x9d: {  	[timem:s6], [sflag:s22] =	dma.local [hbm:s4], s20  }
0x9e: {  	_ =	swait.ge [sflag:s22], s20  }
0x9f: {  	s3 =	ssub.s32 $0x0, s20;
	[sflag:s22] =	ssyncset.done $0x0  }
0xa0: {  	[sflag:s22] =	ssyncadd.s32 s3;
	_ =	sdelay $0x1  }
0xa1: {  	s23 =	simm.s32 $0x1B8B  }
0xa2: {  	_ =	swait.ge [sflag:s23], $0x1  }
0xa3: {  	[sflag:s23] =	ssyncset.done $0x0  }
0xa4: {  	s25 =	simm.s32 $0x1B8E;
	s24 =	sld [smem:$0x3FFE];
	[sflag:s23] =	ssyncadd.s32 $0xFFFFFFFF  }
0xa5: {  	s26 =	simm.s32 $execute0_lowered;
	[smem:$0x3FD2] =	sst s25  }
0xa6: {  	s4 =	sshll.u32 s26, $0x1;
	_ =	strace $0x80000046;
	[dreg:$0x1] =	wrdreg $0xFFFFFFFF  }
0xa7: {  	s28 =	simm.s32 $_size_execute0_lowered;
	s2 =	sadd.s32 s2, s4;
	[dreg:$0x0] =	wrdreg $0x0  }
0xa8: {  	s4 =	sshll.u32 s28, $0x1;
	[dreg:$0x2] =	wrdreg s2  }
0xa9: {  	[dreg:$0x3] =	wrdreg s4  }
0xaa: {  	[dreg:$0x4] =	wrdreg $0xC0  }
0xab: {  	_ =	task [dreg:s6], $0x5FFFF  }
0xac: {  	[dreg:$0x1] =	wrdreg $0xFFFFFFFF  }
0xad: {  	[dreg:$0x0] =	wrdreg $0x60  }
0xae: {  	[dreg:$0x2] =	wrdreg s24  }
0xaf: {  	[dreg:$0x3] =	wrdreg $0x9  }
0xb0: {  	_ =	task.clear_ibuf [dreg:s6], $0x4FFFF;
	_ =	strace $0x90000046  }
0xb1: {  	s29 =	simm.s32 $0x9;
	_ =	strace $0x80000048  }
0xb2: {  	_ =	swait.ge [sflag:s29], $0x1  }
0xb3: {  	[sflag:s29] =	ssyncadd.s32 $0xFFFFFFFF  }
0xb4: {  	_ =	strace $0x90000048  }
0xb5: {  	_ =	sfence  }
0xb6: {  	s30 =	sld [smem:$0x0];
	_ =	sdelay $0x2  }
0xb7: {  	s31 =	sshll.u32 s1, $0xD;
	s1 =	sshrl.u32 s1, $0x2  }
0xb8: {  	s3 =	sand.u32 $0x4000, s31;
	s1 =	sadd.s32 s1, s30  }
0xb9: {  	s0 =	sor.u32 s3, s0;
	s1 =	sshll.u32 s1, $0x11  }
0xba: {  	s0 =	sor.u32 s1, s0  }
0xbb: {  	s0 =	sadd.s32 $0x8F2B, s0  }
0xbc: {  	[sflag:s0] =	ssyncadd.remote.s32 $0x1  }
0xbd: {  	_ =	sfence.sel $0xFFFF  }
0xbe: {  	[dreg:$0x0] =	wrdreg $0xFFFFFFFF;
	(pc) =	sbr.abs _section_cstart, $3  }
0xbf: {  	[dreg:$0x1] =	wrdreg $0xFFFFFFFF  }
0xc0: {  	_ =	task.clear_ibuf [dreg:s6], $0x2FFFF;
	_ =	strace $0x9FFFFFFF  }
0xc1: {  	(tm) =	ssettm $0x7FFFFFFF  }
tec
execute0_lowered:
.L_overlay_start_1:
0x0: {  	(tag) =	ssettag $0x1  }
0x1: {  	s7 =	rddreg [dreg:$0x0]  }
0x2: {  	s0 =	rddreg [dreg:$0x1];
	_ =	strace $0x80000047  }
0x3: {  	s1 =	srdreg.scid;
	s4 =	simm.s32 $0x1;
	s9 =	simm.s32 $0x3  }
0x4: {  	s11 =	simm.s32 $0x0;
	p0 =	por $0x0, $0x0;
	s5 =	sshll.u32 s1, $0x4  }
.Ltmp0:
0x5: {  	s1 =	stileid.u32;
	s5 =	sand.u32 $0x10, s5;
	(pc) =	sbr.rel .LBB2_1-.Ltmp0, $4  }
0x6: {  	s2 =	sadd.s32 $0x3200, s7;
	s3 =	sadd.s32 $0x2A00, s7;
	s6 =	sor.u32 s1, s5  }
0x7: {  	[sflag:s4] =	ssyncpa.u1 $0x0;
	s5 =	simm.s32 $0x2;
	s6 =	sshll.u32 s6, $0x9  }
0x8: {  	s7 =	sadd.s32 $0x43200, s7;
	[sflag:s5] =	ssyncpa.u1 $0x0;
	s8 =	sadd.s32 $0x200, s6  }
0x9: {  	vm0 =	vmmov $0xff;
	vm1 =	vcmask $0x3F20;
	[sflag:s9] =	ssyncpa.u1 $0x0;
	s10 =	smov.u32 s6;
	s9 =	simm.s32 $0x0  }
.LBB2_7:
0xa: {  	p1 =	slt.u32 s9, $0x2;
	s11 =	sadd.s32 $0x100, s10  }
0xb: {  	s13 =	smov.u32 s6;
	s9 =	sadd.s32 $0x1, s9;
	p2 =	slt.s32 s11, s8  }
0xc: {  	s13 =	smov.u32 @p2 s11;
	p2 =	sne.s32 s9, $0x4  }
.Ltmp1:
0xd: {  	_ = 	snop;
	(pc) =	sbr.rel @!p2 .LBB2_8-.Ltmp1, $4  }
0xe: {  	s12 =	simm.s32 @!p1 $0x3  }
0xf: {  	_ =	swait.ge @!p1 [sflag:s12], $0x8000  }
0x10: {  	p0 =	por !p0, !p0;
	[sflag:s12] =	ssyncset.done @!p1 $0x0  }
0x11: {  	s11 =	smov.u32 s10;
	s10 =	smov.u32 s13;
	[sflag:s12] =	ssyncadd.s32 @!p1 $0xFFFF8000  }
.LBB2_1:
0x12: {  	p1 =	sgt.u32 s9, $0x1  }
0x13: {  	s12 =	sshll.u32 @!p1 s9, $0x8;
	s13 =	sshrl.u32 @!p1 s10, $0x3  }
0x14: {  	s14 =	sand.u32 @!p1 $0x7, s10;
	s12 =	sxor.u32 @!p1 $0x100, s12;
	s13 =	sadd.s32 @!p1 s3, s13  }
0x15: {  	[tilespmem:s12], [sflag:$0x2] =	stream.linear.gather @!p1 [hbm4b:s13+s14], $0x100, $0x38;
	[tilespmem:$0x10200] =	vst v63  }
0x16: {  	p1 =	seq.s32 s9, $0x0  }
0x17: {  	p2 =	seq.s32 @!p1 s9, $0x3  }
0x18: {  	p1 =	por p1, p2  }
.Ltmp2:
0x19: {  	_ = 	snop;
	(pc) =	sbr.rel @p1 .LBB2_7-.Ltmp2, $1  }
0x1a: {  	_ =	sdelay $0x3  }
0x1b: {  	s12 =	simm.s32 $0x1  }
0x1c: {  	_ =	swait.ge [sflag:s5], $0x100;
	s12 =	simm.s32 @!p0 $0x0  }
0x1d: {  	[sflag:s5] =	ssyncset.done $0x0;
	s14 =	sshll.u32 s12, $0x8  }
0x1e: {  	[sflag:s5] =	ssyncadd.s32 $0xFFFFFF00;
	s13 =	sadd.s32 $0x0, s14  }
0x1f: {  	v0 =	vld.msk [tilespmem:s13+$0x0 ss:$0x1], $0xffff;
	_ =	sdelay $0x4  }
0x20: {  	vm2 =	vgt.s32 v0, $0x0  }
0x21: {  	v0 =	vnsel vm2, $0x0, v0  }
0x22: {  	v0 =	vmin.u32 v0, $0x3FFF  }
0x23: {  	v0 =	vshll.u32 v0, $0x4;
	_ =	sdelay $0x2  }
0x24: {  	s12 =	sshll.u32 s12, $0xF  }
0x25: {  	s12 =	sor.u32 $0x200, s12  }
0x26: {  	[tilespmem:s12], [sflag:$0x1] =	stream.indirect_vreg.gather [hbm:s2], $0x80, v0, vm0, $0x38;
	[tilespmem:$0x10200] =	vst v63  }
0x27: {  	s15 =	sadd.s32 $0x10, s14;
	s13 =	sadd.s32 $0x400, s12  }
0x28: {  	[tilespmem:s13], [sflag:$0x1] =	stream.indirect_vreg.gather [hbm:s2], $0x80, v0, vm1, $0x38;
	[tilespmem:$0x10200] =	vst v63  }
0x29: {  	s16 =	simm.s32 $0x80;
	v0 =	vld.msk [tilespmem:s15+$0x0 ss:$0x1], $0xffff;
	s15 =	smov.u32 s12  }
.LBB2_3:
0x2a: {  	p1 =	sne.s32 s16, $0x3C0;
	_ =	sdelay $0x4  }
0x2b: {  	vm2 =	vgt.s32 v0, $0x0  }
0x2c: {  	v0 =	vnsel vm2, $0x0, v0  }
0x2d: {  	v0 =	vmin.u32 v0, $0x3FFF  }
0x2e: {  	v0 =	vshll.u32 v0, $0x4;
	_ =	sdelay $0x3  }
.Ltmp3:
0x2f: {  	s17 =	sshra.s32 s16, $0x2;
	s15 =	sadd.s32 $0x800, s15;
	(pc) =	sbr.rel @p1 .LBB2_3-.Ltmp3, $4  }
0x30: {  	[tilespmem:s15], [sflag:$0x1] =	stream.indirect_vreg.gather [hbm:s2], $0x80, v0, vm0, $0x38;
	[tilespmem:$0x10200] =	vst v63  }
0x31: {  	s17 =	sadd.s32 s17, s14;
	s18 =	sadd.s32 $0x400, s15  }
0x32: {  	[tilespmem:s18], [sflag:$0x1] =	stream.indirect_vreg.gather [hbm:s2], $0x80, v0, vm1, $0x38;
	[tilespmem:$0x10200] =	vst v63  }
0x33: {  	s16 =	sadd.s32 $0x40, s16;
	v0 =	vld.msk [tilespmem:s17+$0x0 ss:$0x1], $0xffff  }
0x34: {  	_ =	sdelay $0x3  }
0x35: {  	vm2 =	vgt.s32 v0, $0x0  }
0x36: {  	v0 =	vnsel vm2, $0x0, v0  }
0x37: {  	v0 =	vmin.u32 v0, $0x3FFF  }
0x38: {  	v0 =	vshll.u32 v0, $0x4;
	_ =	sdelay $0x3  }
0x39: {  	s14 =	sadd.s32 $0x800, s15  }
0x3a: {  	[tilespmem:s14], [sflag:$0x1] =	stream.indirect_vreg.gather [hbm:s2], $0x80, v0, vm0, $0x38;
	[tilespmem:$0x10200] =	vst v63  }
0x3b: {  	s14 =	sadd.s32 $0x400, s14  }
0x3c: {  	[tilespmem:s14], [sflag:$0x1] =	stream.indirect_vreg.gather [hbm:s2], $0x80, v0, vm1, $0x38;
	[tilespmem:$0x10200] =	vst v63  }
0x3d: {  	s11 =	sshll.u32 s11, $0x4;
	_ =	swait.ge [sflag:s4], $0x8000  }
0x3e: {  	s11 =	sadd.s32 s11, s7;
	[sflag:s4] =	ssyncset.done $0x0  }
0x3f: {  	s15 =	sadd.s32 $0x0, s11;
	s14 =	simm.s32 $0x80;
	[sflag:s4] =	ssyncadd.s32 $0xFFFF8000  }
.LBB2_5:
0x40: {  	[hbm:s15] =	stream.linear.scatter [tilespmem:s12], [sflag:$0x3], $0x400, $0x38;
	[tilespmem:$0x10200] =	vst v63  }
0x41: {  	s15 =	smov.u32 s14;
	s12 =	smov.u32 s13;
	p1 =	sne.s32 s14, $0xF80  }
.Ltmp4:
0x42: {  	s14 =	sadd.s32 $0x80, s14;
	(pc) =	sbr.rel @p1 .LBB2_5-.Ltmp4, $2  }
0x43: {  	_ =	sdelay $0x2  }
0x44: {  	s13 =	sadd.s32 $0x400, s13;
	s15 =	sadd.s32 s15, s11  }
.Ltmp5:
0x45: {  	(pc) =	sbr.rel .LBB2_7-.Ltmp5, $2  }
0x46: {  	_ =	sdelay $0x2  }
0x47: {  	[hbm:s15] =	stream.linear.scatter [tilespmem:s12], [sflag:$0x3], $0x400, $0x38;
	[tilespmem:$0x10200] =	vst v63  }
.LBB2_8:
0x48: {  	_ =	sfence.sel $0x180000  }
0x49: {  	s2 =	simm.s32 $0x2;
	[bflag:$0x0] =	sbarrier.arrive $0xFFFF  }
0x4a: {  	s30 =	simm.s32 $0x3;
	[sflag:s2] =	ssyncpa.u1 $0x1  }
0x4b: {  	s31 =	simm.s32 $0x1;
	[sflag:s30] =	ssyncpa.u1 $0x1  }
0x4c: {  	[sflag:s31] =	ssyncpa.u1 $0x1  }
0x4d: {  	p0 =	sne.s32 s1, $0x0;
	_ =	strace $0x90000047  }
0x4e: {  	s0 =	sadd.s32 @!p0 $0x100000, s0;
	[bflag:$0x2] =	sbarrier.arrive $0xFFFF  }
0x4f: {  	[sflag:s0] =	ssyncadd.tile.s32 @!p0 $0x1;
	_ =	shalt  }
.Lfunc_end2:
_tile_overlayer_lowered:
.L_overlay_start_2:
0x50: {  	(tag) =	ssettag $0x2  }
0x51: {  	s0 =	rddreg [dreg:$0x0];
	s2 =	stileid.u32  }
0x52: {  	s1 =	rddreg [dreg:$0x1];
	p0 =	sne.s32 s2, $0x0  }
0x53: {  	s3 =	rddreg [dreg:$0x2];
	[bflag:$0x3] =	sbarrier.arrive $0xFFFF;
	s2 =	simm.s32 @!p0 $0x1C01  }
0x54: {  	[timem:s3], [sflag:s2] =	dma.local @!p0 [hbm:s0], s1  }
0x55: {  	s0 =	simm.s32 @!p0 $0x1  }
0x56: {  	_ =	swait.ge @!p0 [sflag:s0], s1  }
0x57: {  	s1 =	ssub.s32 @!p0 $0x0, s1;
	[sflag:s0] =	ssyncset.done @!p0 $0x0  }
0x58: {  	[sflag:s0] =	ssyncadd.s32 @!p0 s1  }
0x59: {  	[bflag:$0x3] =	sbarrier.arrive $0xFFFF  }
0x5a: {  	_ =	shalt  }

// kernel: kernel.4.cloned.1.call-start
scs
__scs_entry_jumppad:
0x0: {  	(pc) =	sbr.rel $0x88, $3  }
0x1: {  	(tag) =	ssettag $0x0;
	lr =	simm.s32 $0x1  }
0x2: {  	[smem:$0x3F94] =	sst lr;
	_ =	strace $0xD0000000  }
0x3: {  	_ = 	snop  }
0x4: {  	_ = 	snop  }
0x5: {  	_ = 	snop  }
0x6: {  	_ = 	snop  }
0x7: {  	_ = 	snop  }
__scs_overlays_trampoline_lowered:
0x8: {  	[smem:$0x3FA3] =	sst s0  }
0x9: {  	[smem:$0x3FA4] =	sst s1  }
0xa: {  	[smem:$0x3FA5] =	sst s2  }
0xb: {  	[smem:$0x3FA6] =	sst s3  }
0xc: {  	[smem:$0x3FA7] =	sst s4  }
0xd: {  	[smem:$0x3FA8] =	sst s5  }
0xe: {  	[smem:$0x3FA9] =	sst s6  }
0xf: {  	[smem:$0x3FAA] =	sst s7  }
0x10: {  	[smem:$0x3FAB] =	sst s8  }
0x11: {  	[smem:$0x3FAC] =	sst s9;
	s0 =	simm.s32 @!p0 $0x0  }
0x12: {  	s1 =	sld [smem:$0x3F92];
	s0 =	simm.s32 @p0 $0x1  }
0x13: {  	[smem:$0x3FAD] =	sst s0;
	s0 =	simm.s32 @!p1 $0x0  }
0x14: {  	s2 =	sld [smem:$0x3F91];
	s0 =	simm.s32 @p1 $0x1  }
0x15: {  	[smem:$0x3FAE] =	sst s0;
	s0 =	simm.s32 @!p2 $0x0  }
0x16: {  	s3 =	sld [smem:$0x3FDB];
	s0 =	simm.s32 @p2 $0x1  }
0x17: {  	s4 =	simm.s32 $0x1BF5;
	[smem:$0x3FB0] =	sst s0  }
0x18: {  	s0 =	sld [smem:$0x3F93];
	_ =	swait.ge [sflag:s4], $0x0  }
0x19: {  	s7 =	sld [smem:$0x3F94]  }
0x1a: {  	s8 =	sadd.s32 $0xFFFFE003, lr  }
0x1b: {  	s9 =	sadd.s32 $0xFFFFFEF7, lr;
	s5 =	simm.s32 $0xFFFFFFFF;
	p2 =	slt.u32 s8, $0xFFFFF086  }
0x1c: {  	p1 =	slt.u32 s9, $0xF7A;
	s5 =	simm.s32 @!p2 $0x0  }
0x1d: {  	s5 =	simm.s32 @p1 $0x1;
	p0 =	seq.s32 s7, s2  }
0x1e: {  	s7 =	smul.u32 @!p0 $0xF7A, s2;
	p2 =	seq.s32 @!p0 s5, $0x0  }
0x1f: {  	s9 =	smul.u32 $0xF7A, s1;
	s8 =	simm.s32 @!p0 $0x1BF5;
	p2 =	por !p2, p0  }
0x20: {  	[sflag:s8] =	ssyncset.s32 @!p0 $0xFFFFF086;
	s6 =	sadd.s32 @!p0 s3, s7;
	s7 =	simm.s32 @!p0 $0x108  }
0x21: {  	s3 =	sadd.s32 s3, s9;
	s6 =	sadd.s32 @!p0 $0x88, s6;
	s7 =	simm.s32 @p2 $0x1082  }
0x22: {  	[simem:s7], [sflag:s8] =	dma.local @!p0 [hbm:s6], $0xF7A  }
0x23: {  	s9 =	sor.u32 $0xD0000000, s2;
	s6 =	simm.s32 $0x108;
	_ =	swait.ge @!p0 [sflag:s8], $0x0  }
0x24: {  	s3 =	sadd.s32 $0x88, s3;
	s6 =	simm.s32 @!p1 $0x1082;
	[sflag:s4] =	ssyncset.s32 $0xFFFFF086  }
0x25: {  	[simem:s6], [sflag:s4] =	dma.local [hbm:s3], $0xF7A  }
0x26: {  	[smem:$0x3F94] =	sst s1;
	(tag) =	ssettag s2;
	_ =	strace s9  }
0x27: {  	s1 =	sld [smem:$0x3FA4]  }
0x28: {  	s2 =	sld [smem:$0x3FA5]  }
0x29: {  	s4 =	sld [smem:$0x3FA7]  }
0x2a: {  	p0 =	seq.s32 s5, $0x0;
	s5 =	sld [smem:$0x3FA8]  }
0x2b: {  	s6 =	sld [smem:$0x3FA9]  }
0x2c: {  	s7 =	sld [smem:$0x3FAA]  }
0x2d: {  	s3 =	simm.s32 $0x108;
	s8 =	sld [smem:$0x3FAB]  }
0x2e: {  	s3 =	simm.s32 @!p0 $0x1082;
	s9 =	sld [smem:$0x3FAC]  }
0x2f: {  	lr =	sadd.s32 s0, s3;
	s0 =	sld [smem:$0x3FA3]  }
0x30: {  	s3 =	sld [smem:$0x3FA6]  }
0x31: {  	[smem:$0x3FAF] =	sst s10  }
0x32: {  	s10 =	sld [smem:$0x3FAD];
	_ =	sdelay $0x3  }
0x33: {  	p0 =	seq.s32 s10, $0x1;
	s10 =	sld [smem:$0x3FAF];
	_ =	sdelay $0x3  }
0x34: {  	[smem:$0x3FAF] =	sst s10  }
0x35: {  	s10 =	sld [smem:$0x3FAE];
	_ =	sdelay $0x3  }
0x36: {  	p1 =	seq.s32 s10, $0x1;
	s10 =	sld [smem:$0x3FAF];
	_ =	sdelay $0x3  }
0x37: {  	[smem:$0x3FAF] =	sst s10  }
0x38: {  	s10 =	sld [smem:$0x3FB0]  }
0x39: {  	_ = 	snop;
	(pc) =	sbr.ind lr, $3  }
0x3a: {  	_ = 	snop  }
0x3b: {  	_ = 	snop  }
0x3c: {  	p2 =	seq.s32 s10, $0x1;
	s10 =	sld [smem:$0x3FAF]  }
0x3d: {  	_ =	shalt  }
0x3e: {  	_ =	shalt  }
0x3f: {  	_ =	shalt  }
0x40: {  	_ =	shalt  }
0x41: {  	_ =	shalt  }
0x42: {  	_ =	shalt  }
0x43: {  	_ =	shalt  }
0x44: {  	_ =	shalt  }
0x45: {  	_ =	shalt  }
0x46: {  	_ =	shalt  }
0x47: {  	_ =	shalt  }
0x48: {  	_ =	shalt  }
0x49: {  	_ =	shalt  }
0x4a: {  	_ =	shalt  }
0x4b: {  	_ =	shalt  }
0x4c: {  	_ =	shalt  }
0x4d: {  	_ =	shalt  }
0x4e: {  	_ =	shalt  }
0x4f: {  	_ =	shalt  }
0x50: {  	_ =	shalt  }
0x51: {  	_ =	shalt  }
0x52: {  	_ =	shalt  }
0x53: {  	_ =	shalt  }
0x54: {  	_ =	shalt  }
0x55: {  	_ =	shalt  }
0x56: {  	_ =	shalt  }
0x57: {  	_ =	shalt  }
0x58: {  	_ =	shalt  }
0x59: {  	_ =	shalt  }
0x5a: {  	_ =	shalt  }
0x5b: {  	_ =	shalt  }
0x5c: {  	_ =	shalt  }
0x5d: {  	_ =	shalt  }
0x5e: {  	_ =	shalt  }
0x5f: {  	_ =	shalt  }
0x60: {  	_ =	shalt  }
0x61: {  	_ =	shalt  }
0x62: {  	_ =	shalt  }
0x63: {  	_ =	shalt  }
0x64: {  	_ =	shalt  }
0x65: {  	_ =	shalt  }
0x66: {  	_ =	shalt  }
0x67: {  	_ =	shalt  }
0x68: {  	_ =	shalt  }
0x69: {  	_ =	shalt  }
0x6a: {  	_ =	shalt  }
0x6b: {  	_ =	shalt  }
0x6c: {  	_ =	shalt  }
0x6d: {  	_ =	shalt  }
0x6e: {  	_ =	shalt  }
0x6f: {  	_ =	shalt  }
0x70: {  	_ =	shalt  }
0x71: {  	_ =	shalt  }
0x72: {  	_ =	shalt  }
0x73: {  	_ =	shalt  }
0x74: {  	_ =	shalt  }
0x75: {  	_ =	shalt  }
0x76: {  	_ =	shalt  }
0x77: {  	_ =	shalt  }
0x78: {  	_ =	shalt  }
0x79: {  	_ =	shalt  }
0x7a: {  	_ =	shalt  }
0x7b: {  	_ =	shalt  }
0x7c: {  	_ =	shalt  }
0x7d: {  	_ =	shalt  }
0x7e: {  	_ =	shalt  }
0x7f: {  	_ =	shalt  }
0x80: {  	_ =	shalt  }
0x81: {  	_ =	shalt  }
0x82: {  	_ =	shalt  }
0x83: {  	_ =	shalt  }
0x84: {  	_ =	shalt  }
0x85: {  	_ =	shalt  }
0x86: {  	_ =	shalt  }
0x87: {  	_ =	shalt  }
.Lfunc_end0:
.L_simem_size_0:
called_computation.2_lowered:
.L_overlay_start_0:
0x88: {  	s2 =	sld [smem:$0x3FD9]  }
0x89: {  	s3 =	sld [smem:$0x3FFE];
	_ =	sdelay $0x1  }
0x8a: {  	s1 =	srdreg.scid  }
0x8b: {  	s0 =	sand.u32 $0x1, s1  }
0x8c: {  	s17 =	sshll.u32 s0, $0xA;
	s2 =	sadd.s32 s3, s2  }
0x8d: {  	s2 =	sadd.s32 s2, s17  }
0x8e: {  	[smem:$0x3FBB] =	sst s2  }
0x8f: {  	_ = 	snop  }
0x90: {  	s18 =	sld [smem:$0x3FC9]  }
0x91: {  	s4 =	sld [smem:$0x3FD0];
	(tm) =	ssettm $0x1  }
0x92: {  	s19 =	sld [smem:$0x3FFB];
	_ =	sdelay $0x3  }
0x93: {  	_ =	strace s19  }
0x94: {  	s2 =	sld [smem:$0x3FFC];
	_ =	sdelay $0x3  }
0x95: {  	_ =	strace s2  }
0x96: {  	s2 =	sld [smem:$0x3FFD];
	_ =	sdelay $0x3  }
0x97: {  	_ =	strace s2  }
0x98: {  	_ =	strace $0x8FFFFFFF  }
0x99: {  	s20 =	sld [smem:$0x3FDB];
	_ =	sdelay $0x1  }
0x9a: {  	s5 =	simm.s32 $_scs_section_size  }
0x9b: {  	s6 =	simm.s32 $_size__tile_overlayer_lowered;
	s7 =	simm.s32 $_tile_overlayer_lowered  }
0x9c: {  	s8 =	simm.s32 $0x1BFF;
	s21 =	sshll.u32 s7, $0x1;
	s5 =	sadd.s32 s5, s20  }
0x9d: {  	s22 =	simm.s32 $0x0;
	s6 =	sshll.u32 s6, $0x1;
	s7 =	sadd.s32 s21, s5  }
0x9e: {  	[timem:s22], [sflag:s8] =	dma.local [hbm:s7], s6  }
0x9f: {  	_ =	swait.ge [sflag:s8], s6  }
0xa0: {  	s6 =	ssub.s32 $0x0, s6;
	[sflag:s8] =	ssyncset.done $0x0  }
0xa1: {  	[sflag:s8] =	ssyncadd.s32 s6;
	_ =	sdelay $0x1  }
0xa2: {  	s23 =	simm.s32 $0x1B8B  }
0xa3: {  	_ =	swait.ge [sflag:s23], $0x1  }
0xa4: {  	[sflag:s23] =	ssyncset.done $0x0  }
0xa5: {  	[sflag:s23] =	ssyncadd.s32 $0xFFFFFFFF  }
0xa6: {  	s6 =	sld [smem:$0x0]  }
0xa7: {  	s7 =	sand.u32 $0xFFFFFFFE, s1  }
0xa8: {  	p0 =	sne.s32 s1, s7  }
0xa9: {  	s7 =	sshll.u32 @p0 s7, $0xE  }
0xaa: {  	s7 =	sadd.s32 @p0 $0x11B8D, s7;
	s8 =	sshll.u32 @p0 s6, $0x11  }
0xab: {  	s7 =	sor.u32 @p0 s8, s7  }
0xac: {  	[sflag:s7] =	ssyncadd.remote.s32 @p0 $0x1;
	_ =	sdelay $0x1  }
0xad: {  	s7 =	simm.s32 @p0 $0x1B8D  }
0xae: {  	_ =	swait.eq @p0 [sflag:s7], $0x1  }
0xaf: {  	[sflag:s7] =	ssyncadd.s32 @p0 $0xFFFFFFFF  }
0xb0: {  	s8 =	sshll.u32 @!p0 s1, $0xE  }
0xb1: {  	s8 =	sor.u32 @!p0 $0x4000, s8;
	s7 =	simm.s32 @!p0 $0x1B8D  }
0xb2: {  	s6 =	sshll.u32 @!p0 s6, $0x11;
	s8 =	sadd.s32 @!p0 $0x11B8D, s8;
	_ =	swait.eq @!p0 [sflag:s7], $0x1  }
0xb3: {  	s6 =	sor.u32 @!p0 s6, s8;
	[sflag:s7] =	ssyncadd.s32 @!p0 $0xFFFFFFFF  }
0xb4: {  	s25 =	simm.s32 $0x1B8E;
	s24 =	sld [smem:$0x3FFE];
	[sflag:s6] =	ssyncadd.remote.s32 @!p0 $0x1  }
0xb5: {  	s26 =	simm.s32 $execute0_lowered;
	[smem:$0x3FD2] =	sst s25  }
0xb6: {  	s7 =	sshll.u32 s26, $0x1;
	_ =	strace $0x80000049;
	[dreg:$0x1] =	wrdreg $0xFFFFFFFF  }
0xb7: {  	s28 =	simm.s32 $_size_execute0_lowered;
	s5 =	sadd.s32 s5, s7;
	[dreg:$0x0] =	wrdreg $0x0  }
0xb8: {  	s7 =	sshll.u32 s28, $0x1;
	[dreg:$0x2] =	wrdreg s5  }
0xb9: {  	[dreg:$0x3] =	wrdreg s7  }
0xba: {  	[dreg:$0x4] =	wrdreg $0xC0  }
0xbb: {  	_ =	task [dreg:s22], $0x5FFFF  }
0xbc: {  	[dreg:$0x1] =	wrdreg $0xFFFFFFFF  }
0xbd: {  	[dreg:$0x0] =	wrdreg $0x60  }
0xbe: {  	[dreg:$0x2] =	wrdreg s4  }
0xbf: {  	[dreg:$0x3] =	wrdreg s18  }
0xc0: {  	[dreg:$0x4] =	wrdreg s24  }
0xc1: {  	[dreg:$0x5] =	wrdreg $0xA  }
0xc2: {  	_ =	task.clear_ibuf [dreg:s22], $0x6FFFF;
	_ =	strace $0x90000049  }
0xc3: {  	s29 =	simm.s32 $0xA;
	_ =	strace $0x8000004B  }
0xc4: {  	_ =	swait.ge [sflag:s29], $0x1  }
0xc5: {  	[sflag:s29] =	ssyncadd.s32 $0xFFFFFFFF  }
0xc6: {  	_ =	strace $0x9000004B  }
0xc7: {  	_ =	sfence  }
0xc8: {  	s30 =	sld [smem:$0x0];
	_ =	sdelay $0x2  }
0xc9: {  	s31 =	sshll.u32 s1, $0xD;
	s1 =	sshrl.u32 s1, $0x2  }
0xca: {  	s4 =	sand.u32 $0x4000, s31;
	s1 =	sadd.s32 s1, s30  }
0xcb: {  	s0 =	sor.u32 s4, s0;
	s1 =	sshll.u32 s1, $0x11  }
0xcc: {  	s0 =	sor.u32 s1, s0  }
0xcd: {  	s0 =	sadd.s32 $0x8F2B, s0  }
0xce: {  	[sflag:s0] =	ssyncadd.remote.s32 $0x1  }
0xcf: {  	_ =	sfence.sel $0xFFFF  }
0xd0: {  	[dreg:$0x0] =	wrdreg $0xFFFFFFFF;
	(pc) =	sbr.abs _section_cstart, $3  }
0xd1: {  	[dreg:$0x1] =	wrdreg $0xFFFFFFFF  }
0xd2: {  	_ =	task.clear_ibuf [dreg:s22], $0x2FFFF;
	_ =	strace $0x9FFFFFFF  }
0xd3: {  	(tm) =	ssettm $0x7FFFFFFF  }
tec
execute0_lowered:
.L_overlay_start_1:
0x0: {  	(tag) =	ssettag $0x1  }
0x1: {  	s1 =	rddreg [dreg:$0x0]  }
0x2: {  	s2 =	srdreg.scid;
	s4 =	rddreg [dreg:$0x1]  }
0x3: {  	s0 =	stileid.u32;
	s8 =	rddreg [dreg:$0x2];
	s6 =	sand.u32 $0x1, s2  }
0x4: {  	s3 =	simm.s32 $0x0;
	s5 =	sshll.u32 s0, $0xA;
	s7 =	sshll.u32 s6, $0x9  }
0x5: {  	[smem:$0x7FF] =	sst s3;
	s9 =	sor.u32 s7, s5  }
0x6: {  	s2 =	rddreg [dreg:$0x3];
	_ =	strace $0x8000004A;
	s5 =	sshrl.u32 s9, $0x3  }
0x7: {  	s10 =	ssub.s32 $0x2, s6;
	s4 =	sadd.s32 s4, s5;
	s5 =	simm.s32 $0x1  }
0x8: {  	[tilespmem:s3], [sflag:$0x1] =	stream.linear.gather [hbm4b:s4+s3], $0x200, $0x38;
	[tilespmem:$0x1200] =	vst v63  }
0x9: {  	s6 =	simm.s32 $0x200;
	s31 =	sshrl.u32 s10, $0x1;
	_ =	swait.ge [sflag:s5], $0x200  }
0xa: {  	s8 =	sadd.s32 s9, s8;
	s9 =	ssub.s32 s10, s31;
	[sflag:s5] =	ssyncset.done $0x0  }
0xb: {  	s7 =	simm.s32 $0x2;
	s10 =	smax.u32 s9, $0x1;
	[sflag:s5] =	ssyncadd.s32 $0xFFFFFE00  }
0xc: {  	[tilespmem:s6], [sflag:$0x2] =	stream.indirect.gather [hbm4b:s1+s6], $0x1, s3, s6, $0xb8;
	[tilespmem:$0x1200] =	vst v63  }
0xd: {  	p0 =	sne.s32 s10, $0x1;
	_ =	swait.ge [sflag:s7], $0x200  }
.Ltmp0:
0xe: {  	[sflag:s7] =	ssyncset.done $0x0;
	(pc) =	sbr.rel @!p0 .LBB2_2-.Ltmp0, $4  }
0xf: {  	s8 =	sadd.s32 $0x83200, s8;
	s9 =	simm.s32 $0x3;
	[sflag:s7] =	ssyncadd.s32 $0xFFFFFE00  }
0x10: {  	[hbm4b:s8+s3] =	stream.linear.scatter [tilespmem:s6], [sflag:$0x3], $0x1000, $0x38;
	[tilespmem:$0x1200] =	vst v63  }
0x11: {  	_ =	swait.ge [sflag:s9], $0x1000  }
0x12: {  	s10 =	sadd.s32 $0xFFFFFFFF, s10;
	[sflag:s9] =	ssyncset.done $0x0  }
.LBB2_1:
0x13: {  	p0 =	sne.s32 s10, $0x1;
	s10 =	sadd.s32 $0xFFFFFFFF, s10;
	[sflag:s9] =	ssyncadd.s32 $0xFFFFF000  }
0x14: {  	[tilespmem:s3], [sflag:$0x1] =	stream.linear.gather [hbm4b:s4+s3], $0x200, $0x38;
	[tilespmem:$0x1200] =	vst v63  }
0x15: {  	_ =	swait.ge [sflag:s5], $0x200  }
0x16: {  	[sflag:s5] =	ssyncset.done $0x0  }
0x17: {  	[sflag:s5] =	ssyncadd.s32 $0xFFFFFE00  }
0x18: {  	[tilespmem:s6], [sflag:$0x2] =	stream.indirect.gather [hbm4b:s1+s6], $0x1, s3, s6, $0xb8;
	[tilespmem:$0x1200] =	vst v63  }
0x19: {  	_ =	swait.ge [sflag:s7], $0x200  }
.Ltmp1:
0x1a: {  	[sflag:s7] =	ssyncset.done $0x0;
	(pc) =	sbr.rel @p0 .LBB2_1-.Ltmp1, $4  }
0x1b: {  	[sflag:s7] =	ssyncadd.s32 $0xFFFFFE00  }
0x1c: {  	[hbm4b:s8+s3] =	stream.linear.scatter [tilespmem:s6], [sflag:$0x3], $0x1000, $0x38;
	[tilespmem:$0x1200] =	vst v63  }
0x1d: {  	_ =	swait.ge [sflag:s9], $0x1000  }
0x1e: {  	[sflag:s9] =	ssyncset.done $0x0  }
.LBB2_2:
0x1f: {  	[sflag:s9] =	ssyncadd.s32 $0xFFFFF000  }
0x20: {  	_ =	sfence.sel $0x180000  }
0x21: {  	[bflag:$0x0] =	sbarrier.arrive $0xFFFF  }
0x22: {  	p0 =	sne.s32 s0, $0x0;
	_ =	strace $0x9000004A  }
0x23: {  	s0 =	sadd.s32 @!p0 $0x100000, s2;
	[bflag:$0x2] =	sbarrier.arrive $0xFFFF  }
0x24: {  	[sflag:s0] =	ssyncadd.tile.s32 @!p0 $0x1;
	_ =	shalt  }
.Lfunc_end2:
_tile_overlayer_lowered:
.L_overlay_start_2:
0x25: {  	(tag) =	ssettag $0x2  }
0x26: {  	s0 =	rddreg [dreg:$0x0];
	s2 =	stileid.u32  }
0x27: {  	s1 =	rddreg [dreg:$0x1];
	p0 =	sne.s32 s2, $0x0  }
0x28: {  	s3 =	rddreg [dreg:$0x2];
	[bflag:$0x3] =	sbarrier.arrive $0xFFFF;
	s2 =	simm.s32 @!p0 $0x1C03  }
0x29: {  	[timem:s3], [sflag:s2] =	dma.local @!p0 [hbm:s0], s1  }
0x2a: {  	s0 =	simm.s32 @!p0 $0x3  }
0x2b: {  	_ =	swait.ge @!p0 [sflag:s0], s1  }
0x2c: {  	s1 =	ssub.s32 @!p0 $0x0, s1;
	[sflag:s0] =	ssyncset.done @!p0 $0x0  }
0x2d: {  	[sflag:s0] =	ssyncadd.s32 @!p0 s1  }
0x2e: {  	[bflag:$0x3] =	sbarrier.arrive $0xFFFF  }
0x2f: {  	_ =	shalt  }

</sc_bundles>
